<compile_context>
chip_gen: v7x
topology: tpu7x:2x2x1
jax: 0.10.2.dev20260603
libtpu: 0.0.44.dev20260713+nightly
codegen_flags: <defaults>
</compile_context>

<pallas_src>
import functools

import jax
import jax.numpy as jnp
from jax import lax
from jax.experimental import pallas as pl
from jax.experimental.pallas import tpu as pltpu
from jax.experimental.pallas import tpu_sc as plsc

D_MODEL = 512
BUFFER_SIZE = 4096
MMAP_SIZE = 100000

_NC = 2
_NS = 16
_NW = _NC * _NS
_EPW = BUFFER_SIZE // _NW
_NCH = 4
_CROWS = _EPW // _NCH

_CHUNK = 512
_NBLK = BUFFER_SIZE // _CHUNK


def _winner_body(ev_row_ref, ev_col_ref, out_ref):
    out_ref[0, :] = ev_row_ref[0, :]
    for bi in range(_NBLK):
        width = BUFFER_SIZE - bi * _CHUNK
        rows = ev_col_ref[pl.ds(bi * _CHUNK, _CHUNK), :]
        seg = ev_row_ref[:, pl.ds(bi * _CHUNK, width)]
        eq = rows == seg
        j = bi * _CHUNK + lax.broadcasted_iota(jnp.int32, (_CHUNK, width), 1)
        w = jnp.max(jnp.where(eq, j, -1), axis=1)
        out_ref[1, pl.ds(bi * _CHUNK, _CHUNK)] = w


def _winners(evict):
    return pl.pallas_call(
        _winner_body,
        out_shape=jax.ShapeDtypeStruct((2, BUFFER_SIZE), jnp.int32),
    )(evict.reshape(1, BUFFER_SIZE), evict.reshape(BUFFER_SIZE, 1))


_mesh = plsc.VectorSubcoreMesh(core_axis_name="c", subcore_axis_name="s")


@functools.partial(
    pl.kernel,
    out_type=(),
    mesh=_mesh,
    scratch_types=[
        pltpu.VMEM((2, _EPW), jnp.int32),
        pltpu.VMEM((_EPW, D_MODEL), jnp.float32),
        pltpu.SemaphoreType.DMA((_NCH,)),
        pltpu.SemaphoreType.DMA((_NCH,)),
    ],
)
def _sc_scatter(m_ref, dbuf_hbm, aux_hbm, idx_v, rows_v, gsem, ssem):
    wid = lax.axis_index("s") * _NC + lax.axis_index("c")
    base = wid * _EPW
    pltpu.sync_copy(aux_hbm.at[:, pl.ds(base, _EPW)], idx_v)
    gathers = []
    for c in range(_NCH):
        g = pltpu.async_copy(
            dbuf_hbm.at[idx_v.at[1, pl.ds(c * _CROWS, _CROWS)]],
            rows_v.at[pl.ds(c * _CROWS, _CROWS)],
            gsem.at[c],
        )
        gathers.append(g)
    scatters = []
    for c in range(_NCH):
        gathers[c].wait()
        s = pltpu.async_copy(
            rows_v.at[pl.ds(c * _CROWS, _CROWS)],
            m_ref.at[idx_v.at[0, pl.ds(c * _CROWS, _CROWS)]],
            ssem.at[c],
        )
        scatters.append(s)
    for c in range(_NCH):
        scatters[c].wait()


@functools.partial(
    pl.kernel,
    out_type=jax.ShapeDtypeStruct((BUFFER_SIZE, D_MODEL), jnp.float32),
    mesh=_mesh,
    scratch_types=[
        pltpu.VMEM((_EPW,), jnp.int32),
        pltpu.VMEM((_EPW, D_MODEL), jnp.float32),
        pltpu.SemaphoreType.DMA((_NCH,)),
        pltpu.SemaphoreType.DMA((_NCH,)),
    ],
)
def _sc_gather(m_ref, load_hbm, out_hbm, idx_v, rows_v, gsem, ssem):
    wid = lax.axis_index("s") * _NC + lax.axis_index("c")
    base = wid * _EPW
    pltpu.sync_copy(load_hbm.at[pl.ds(base, _EPW)], idx_v)
    gathers = []
    for c in range(_NCH):
        g = pltpu.async_copy(
            m_ref.at[idx_v.at[pl.ds(c * _CROWS, _CROWS)]],
            rows_v.at[pl.ds(c * _CROWS, _CROWS)],
            gsem.at[c],
        )
        gathers.append(g)
    writes = []
    for c in range(_NCH):
        gathers[c].wait()
        s = pltpu.async_copy(
            rows_v.at[pl.ds(c * _CROWS, _CROWS)],
            out_hbm.at[pl.ds(base + c * _CROWS, _CROWS)],
            ssem.at[c],
        )
        writes.append(s)
    for c in range(_NCH):
        writes[c].wait()


def kernel(mmap, device_buffer, load_indices, evict_indices):
    evict = evict_indices.astype(jnp.int32)
    load = load_indices.astype(jnp.int32)
    aux = _winners(evict)
    m_ref = jax.new_ref(mmap)
    _sc_scatter(m_ref, device_buffer, aux)
    new_buffer = _sc_gather(m_ref, load)
    new_mmap = jax.freeze(m_ref)
    return (new_buffer, new_mmap)

# --- scband reference (transcript-rebuilt; emitter-appended) ---
"""Pipeline reference for scband-mobile-memory-manager-8581344657508 (READ-ONLY COPY).

The authoritative reference and input builder live on the scoring server;
editing this copy changes nothing except your own understanding.
"""

import jax, jax.numpy as jnp
import numpy as np

D_MODEL = 512
BUFFER_SIZE = 4096
MMAP_SIZE = 100000


def setup_inputs(seed: int = 0) -> dict:
    key = jax.random.key(seed)
    k1, k2, k3, k4 = jax.random.split(key, 4)
    mmap = jax.random.normal(k1, (MMAP_SIZE, D_MODEL), dtype=jnp.float32)
    # device_buffer is the module's learned/stateful nn.Parameter, materialized here
    device_buffer = jax.random.normal(k2, (BUFFER_SIZE, D_MODEL), dtype=jnp.float32)
    load_indices = jax.random.randint(k3, (BUFFER_SIZE,), 0, MMAP_SIZE, dtype=jnp.int64)
    evict_indices = jax.random.randint(k4, (BUFFER_SIZE,), 0, MMAP_SIZE, dtype=jnp.int64)
    return {
        "mmap": mmap,
        "device_buffer": device_buffer,
        "load_indices": load_indices,
        "evict_indices": evict_indices,
    }


def reference(mmap, device_buffer, load_indices, evict_indices):
    # evict_from_device: scatter-overwrite buffer rows back into backing memory
    # (torch: self.mmap[indices[i]].copy_(self.device_buffer.data[i]))
    new_mmap = mmap.at[evict_indices].set(device_buffer)
    # load_to_device: gather rows from backing memory into the device buffer
    # (torch: self.device_buffer.data[i].copy_(self.mmap[indices[i]]))
    new_buffer = jnp.take(new_mmap, load_indices, axis=0)
    return (new_buffer, new_mmap)

if __name__ == "__main__":
    import jax
    _d = setup_inputs()
    print(jax.jit(kernel)(*tuple(_d.values())))

</pallas_src>

<mosaic_0001>
#map = affine_map<(d0, d1) -> (0, 0)>
#map1 = affine_map<(d0, d1) -> (0)>
module attributes {stable_mosaic.version = 14 : i64} {
  func.func @new_body(%arg0: i32, %arg1: i32, %arg2: memref<100000x512xf32, #tpu.memory_space<hbm>>, %arg3: memref<4096xi32, #tpu.memory_space<hbm>>, %arg4: memref<4096x512xf32, #tpu.memory_space<hbm>>, %arg5: memref<100000x512xf32, #tpu.memory_space<hbm>>, %arg6: memref<128xi32, #tpu.memory_space<vmem>>, %arg7: memref<128x512xf32, #tpu.memory_space<vmem>>, %arg8: memref<4x!tpu.dma_semaphore, #tpu.memory_space<semaphore_mem>>, %arg9: memref<4x!tpu.dma_semaphore, #tpu.memory_space<semaphore_mem>>) attributes {dimension_semantics = [#tpu.dimension_semantics<core_parallel>, #tpu.dimension_semantics<subcore_parallel>], iteration_bounds = array<i64: 2, 16>, scalar_prefetch = 0 : i64, scratch_operands = 4 : i64, tpu.core_type = #tpu.core_type<sc_vector_subcore>, window_params = [{transform_indices = #map}, {transform_indices = #map1}, {transform_indices = #map}, {transform_indices = #map}]} {
    %mul3A = arith.constant 2 : i32
    %mul3A_0 = arith.muli %arg1, %mul3A : i32
    %add3A = arith.addi %mul3A_0, %arg0 : i32
    %mul3A_1 = arith.constant 128 : i32
    %mul3A_2 = arith.muli %add3A, %mul3A_1 : i32
    "tpu.region"() ({
      %run_scoped3A = tpu.sem_alloc : memref<!tpu.dma_semaphore, #tpu.memory_space<semaphore_mem>>
      %dma_start3A_201 = tpu.memref_slice %arg3[%mul3A_2] : memref<4096xi32, #tpu.memory_space<hbm>> -> memref<128xi32, #tpu.memory_space<hbm>>
      %dma_start3A_202 = tpu.memref_slice %arg3[%mul3A_2] : memref<4096xi32, #tpu.memory_space<hbm>> -> memref<128xi32, #tpu.memory_space<hbm>>
      tpu.enqueue_dma source(%dma_start3A_202 : memref<128xi32, #tpu.memory_space<hbm>>) target(%arg6 : memref<128xi32, #tpu.memory_space<vmem>>) target_semaphore(%run_scoped3A : memref<!tpu.dma_semaphore, #tpu.memory_space<semaphore_mem>>)
      %dma_wait3A_203 = tpu.memref_slice %arg3[%mul3A_2] : memref<4096xi32, #tpu.memory_space<hbm>> -> memref<128xi32, #tpu.memory_space<hbm>>
      %dma_wait3A_204 = tpu.memref_slice %arg3[%mul3A_2] : memref<4096xi32, #tpu.memory_space<hbm>> -> memref<128xi32, #tpu.memory_space<hbm>>
      tpu.wait_dma2 semaphore(%run_scoped3A : memref<!tpu.dma_semaphore, #tpu.memory_space<semaphore_mem>>) src(%dma_wait3A_204 : memref<128xi32, #tpu.memory_space<hbm>>) dst(%arg6 : memref<128xi32, #tpu.memory_space<vmem>>)
      tpu.yield
    }) : () -> ()
    %dma_start3A = arith.constant 0 : i32
    %dma_start3A_3 = arith.constant 0 : i32
    %dma_start3A_4 = arith.constant 0 : i32
    %dma_start3A_5 = tpu.memref_slice %arg7[%dma_start3A_3, %dma_start3A_4] : memref<128x512xf32, #tpu.memory_space<vmem>> -> memref<32x512xf32, #tpu.memory_space<vmem>>
    %dma_start3A_6 = arith.constant 0 : i32
    %dma_start3A_7 = tpu.memref_slice %arg6[%dma_start3A_6] : memref<128xi32, #tpu.memory_space<vmem>> -> memref<32xi32, #tpu.memory_space<vmem>>
    %dma_start3A_8 = arith.constant 0 : i32
    %dma_start3A_9 = arith.constant 0 : i32
    %dma_start3A_10 = tpu.memref_slice %arg2[%dma_start3A_8, %dma_start3A_9] : memref<100000x512xf32, #tpu.memory_space<hbm>> -> memref<100000x512xf32, #tpu.memory_space<hbm>>
    %dma_start3A_11 = tpu.memref_slice %arg8[%dma_start3A] : memref<4x!tpu.dma_semaphore, #tpu.memory_space<semaphore_mem>> -> memref<1x!tpu.dma_semaphore, #tpu.memory_space<semaphore_mem>>
    %dma_start3A_12 = tpu.memref_squeeze %dma_start3A_11 : memref<1x!tpu.dma_semaphore, #tpu.memory_space<semaphore_mem>> -> memref<!tpu.dma_semaphore, #tpu.memory_space<semaphore_mem>>
    tpu.enqueue_indirect_dma source(%dma_start3A_10 : memref<100000x512xf32, #tpu.memory_space<hbm>>) target(%dma_start3A_5 : memref<32x512xf32, #tpu.memory_space<vmem>>) offsets(%dma_start3A_7 : memref<32xi32, #tpu.memory_space<vmem>>) semaphore(%dma_start3A_12 : memref<!tpu.dma_semaphore, #tpu.memory_space<semaphore_mem>>)
    %dma_start3A_13 = arith.constant 1 : i32
    %dma_start3A_14 = arith.constant 32 : i32
    %dma_start3A_15 = arith.constant 0 : i32
    %dma_start3A_16 = tpu.memref_slice %arg7[%dma_start3A_14, %dma_start3A_15] : memref<128x512xf32, #tpu.memory_space<vmem>> -> memref<32x512xf32, #tpu.memory_space<vmem>>
    %dma_start3A_17 = arith.constant 32 : i32
    %dma_start3A_18 = tpu.memref_slice %arg6[%dma_start3A_17] : memref<128xi32, #tpu.memory_space<vmem>> -> memref<32xi32, #tpu.memory_space<vmem>>
    %dma_start3A_19 = arith.constant 0 : i32
    %dma_start3A_20 = arith.constant 0 : i32
    %dma_start3A_21 = tpu.memref_slice %arg2[%dma_start3A_19, %dma_start3A_20] : memref<100000x512xf32, #tpu.memory_space<hbm>> -> memref<100000x512xf32, #tpu.memory_space<hbm>>
    %dma_start3A_22 = tpu.memref_slice %arg8[%dma_start3A_13] : memref<4x!tpu.dma_semaphore, #tpu.memory_space<semaphore_mem>> -> memref<1x!tpu.dma_semaphore, #tpu.memory_space<semaphore_mem>>
    %dma_start3A_23 = tpu.memref_squeeze %dma_start3A_22 : memref<1x!tpu.dma_semaphore, #tpu.memory_space<semaphore_mem>> -> memref<!tpu.dma_semaphore, #tpu.memory_space<semaphore_mem>>
    tpu.enqueue_indirect_dma source(%dma_start3A_21 : memref<100000x512xf32, #tpu.memory_space<hbm>>) target(%dma_start3A_16 : memref<32x512xf32, #tpu.memory_space<vmem>>) offsets(%dma_start3A_18 : memref<32xi32, #tpu.memory_space<vmem>>) semaphore(%dma_start3A_23 : memref<!tpu.dma_semaphore, #tpu.memory_space<semaphore_mem>>)
    %dma_start3A_24 = arith.constant 2 : i32
    %dma_start3A_25 = arith.constant 64 : i32
    %dma_start3A_26 = arith.constant 0 : i32
    %dma_start3A_27 = tpu.memref_slice %arg7[%dma_start3A_25, %dma_start3A_26] : memref<128x512xf32, #tpu.memory_space<vmem>> -> memref<32x512xf32, #tpu.memory_space<vmem>>
    %dma_start3A_28 = arith.constant 64 : i32
    %dma_start3A_29 = tpu.memref_slice %arg6[%dma_start3A_28] : memref<128xi32, #tpu.memory_space<vmem>> -> memref<32xi32, #tpu.memory_space<vmem>>
    %dma_start3A_30 = arith.constant 0 : i32
    %dma_start3A_31 = arith.constant 0 : i32
    %dma_start3A_32 = tpu.memref_slice %arg2[%dma_start3A_30, %dma_start3A_31] : memref<100000x512xf32, #tpu.memory_space<hbm>> -> memref<100000x512xf32, #tpu.memory_space<hbm>>
    %dma_start3A_33 = tpu.memref_slice %arg8[%dma_start3A_24] : memref<4x!tpu.dma_semaphore, #tpu.memory_space<semaphore_mem>> -> memref<1x!tpu.dma_semaphore, #tpu.memory_space<semaphore_mem>>
    %dma_start3A_34 = tpu.memref_squeeze %dma_start3A_33 : memref<1x!tpu.dma_semaphore, #tpu.memory_space<semaphore_mem>> -> memref<!tpu.dma_semaphore, #tpu.memory_space<semaphore_mem>>
    tpu.enqueue_indirect_dma source(%dma_start3A_32 : memref<100000x512xf32, #tpu.memory_space<hbm>>) target(%dma_start3A_27 : memref<32x512xf32, #tpu.memory_space<vmem>>) offsets(%dma_start3A_29 : memref<32xi32, #tpu.memory_space<vmem>>) semaphore(%dma_start3A_34 : memref<!tpu.dma_semaphore, #tpu.memory_space<semaphore_mem>>)
    %dma_start3A_35 = arith.constant 3 : i32
    %dma_start3A_36 = arith.constant 96 : i32
    %dma_start3A_37 = arith.constant 0 : i32
    %dma_start3A_38 = tpu.memref_slice %arg7[%dma_start3A_36, %dma_start3A_37] : memref<128x512xf32, #tpu.memory_space<vmem>> -> memref<32x512xf32, #tpu.memory_space<vmem>>
    %dma_start3A_39 = arith.constant 96 : i32
    %dma_start3A_40 = tpu.memref_slice %arg6[%dma_start3A_39] : memref<128xi32, #tpu.memory_space<vmem>> -> memref<32xi32, #tpu.memory_space<vmem>>
    %dma_start3A_41 = arith.constant 0 : i32
    %dma_start3A_42 = arith.constant 0 : i32
    %dma_start3A_43 = tpu.memref_slice %arg2[%dma_start3A_41, %dma_start3A_42] : memref<100000x512xf32, #tpu.memory_space<hbm>> -> memref<100000x512xf32, #tpu.memory_space<hbm>>
    %dma_start3A_44 = tpu.memref_slice %arg8[%dma_start3A_35] : memref<4x!tpu.dma_semaphore, #tpu.memory_space<semaphore_mem>> -> memref<1x!tpu.dma_semaphore, #tpu.memory_space<semaphore_mem>>
    %dma_start3A_45 = tpu.memref_squeeze %dma_start3A_44 : memref<1x!tpu.dma_semaphore, #tpu.memory_space<semaphore_mem>> -> memref<!tpu.dma_semaphore, #tpu.memory_space<semaphore_mem>>
    tpu.enqueue_indirect_dma source(%dma_start3A_43 : memref<100000x512xf32, #tpu.memory_space<hbm>>) target(%dma_start3A_38 : memref<32x512xf32, #tpu.memory_space<vmem>>) offsets(%dma_start3A_40 : memref<32xi32, #tpu.memory_space<vmem>>) semaphore(%dma_start3A_45 : memref<!tpu.dma_semaphore, #tpu.memory_space<semaphore_mem>>)
    %dma_wait3A = arith.constant 0 : i32
    %dma_wait3A_46 = arith.constant 0 : i32
    %dma_wait3A_47 = arith.constant 0 : i32
    %dma_wait3A_48 = tpu.memref_slice %arg7[%dma_wait3A_46, %dma_wait3A_47] : memref<128x512xf32, #tpu.memory_space<vmem>> -> memref<32x512xf32, #tpu.memory_space<vmem>>
    %dma_wait3A_49 = arith.constant 0 : i32
    %dma_wait3A_50 = tpu.memref_slice %arg6[%dma_wait3A_49] : memref<128xi32, #tpu.memory_space<vmem>> -> memref<32xi32, #tpu.memory_space<vmem>>
    %dma_wait3A_51 = arith.constant 0 : i32
    %dma_wait3A_52 = arith.constant 0 : i32
    %dma_wait3A_53 = tpu.memref_slice %arg2[%dma_wait3A_51, %dma_wait3A_52] : memref<100000x512xf32, #tpu.memory_space<hbm>> -> memref<100000x512xf32, #tpu.memory_space<hbm>>
    %dma_wait3A_54 = tpu.memref_slice %arg8[%dma_wait3A] : memref<4x!tpu.dma_semaphore, #tpu.memory_space<semaphore_mem>> -> memref<1x!tpu.dma_semaphore, #tpu.memory_space<semaphore_mem>>
    %dma_wait3A_55 = tpu.memref_squeeze %dma_wait3A_54 : memref<1x!tpu.dma_semaphore, #tpu.memory_space<semaphore_mem>> -> memref<!tpu.dma_semaphore, #tpu.memory_space<semaphore_mem>>
    tpu.wait_indirect_dma semaphore(%dma_wait3A_55 : memref<!tpu.dma_semaphore, #tpu.memory_space<semaphore_mem>>) src(%dma_wait3A_53 : memref<100000x512xf32, #tpu.memory_space<hbm>>) dst(%dma_wait3A_48 : memref<32x512xf32, #tpu.memory_space<vmem>>)
    %add3A_56 = arith.constant 0 : i32
    %add3A_57 = arith.addi %mul3A_2, %add3A_56 : i32
    %dma_start3A_58 = arith.constant 0 : i32
    %dma_start3A_59 = arith.constant 0 : i32
    %dma_start3A_60 = arith.constant 0 : i32
    %dma_start3A_61 = tpu.memref_slice %arg7[%dma_start3A_59, %dma_start3A_60] : memref<128x512xf32, #tpu.memory_space<vmem>> -> memref<32x512xf32, #tpu.memory_space<vmem>>
    %dma_start3A_62 = arith.constant 0 : i32
    %dma_start3A_63 = tpu.memref_slice %arg4[%add3A_57, %dma_start3A_62] : memref<4096x512xf32, #tpu.memory_space<hbm>> -> memref<32x512xf32, #tpu.memory_space<hbm>>
    %dma_start3A_64 = tpu.memref_slice %arg9[%dma_start3A_58] : memref<4x!tpu.dma_semaphore, #tpu.memory_space<semaphore_mem>> -> memref<1x!tpu.dma_semaphore, #tpu.memory_space<semaphore_mem>>
    %dma_start3A_65 = tpu.memref_squeeze %dma_start3A_64 : memref<1x!tpu.dma_semaphore, #tpu.memory_space<semaphore_mem>> -> memref<!tpu.dma_semaphore, #tpu.memory_space<semaphore_mem>>
    %dma_start3A_66 = arith.constant 0 : i32
    %dma_start3A_67 = tpu.memref_slice %arg4[%add3A_57, %dma_start3A_66] : memref<4096x512xf32, #tpu.memory_space<hbm>> -> memref<32x512xf32, #tpu.memory_space<hbm>>
    %dma_start3A_68 = arith.constant 0 : i32
    %dma_start3A_69 = arith.constant 0 : i32
    %dma_start3A_70 = tpu.memref_slice %arg7[%dma_start3A_68, %dma_start3A_69] : memref<128x512xf32, #tpu.memory_space<vmem>> -> memref<32x512xf32, #tpu.memory_space<vmem>>
    tpu.enqueue_dma source(%dma_start3A_70 : memref<32x512xf32, #tpu.memory_space<vmem>>) target(%dma_start3A_67 : memref<32x512xf32, #tpu.memory_space<hbm>>) target_semaphore(%dma_start3A_65 : memref<!tpu.dma_semaphore, #tpu.memory_space<semaphore_mem>>)
    %dma_wait3A_71 = arith.constant 1 : i32
    %dma_wait3A_72 = arith.constant 32 : i32
    %dma_wait3A_73 = arith.constant 0 : i32
    %dma_wait3A_74 = tpu.memref_slice %arg7[%dma_wait3A_72, %dma_wait3A_73] : memref<128x512xf32, #tpu.memory_space<vmem>> -> memref<32x512xf32, #tpu.memory_space<vmem>>
    %dma_wait3A_75 = arith.constant 32 : i32
    %dma_wait3A_76 = tpu.memref_slice %arg6[%dma_wait3A_75] : memref<128xi32, #tpu.memory_space<vmem>> -> memref<32xi32, #tpu.memory_space<vmem>>
    %dma_wait3A_77 = arith.constant 0 : i32
    %dma_wait3A_78 = arith.constant 0 : i32
    %dma_wait3A_79 = tpu.memref_slice %arg2[%dma_wait3A_77, %dma_wait3A_78] : memref<100000x512xf32, #tpu.memory_space<hbm>> -> memref<100000x512xf32, #tpu.memory_space<hbm>>
    %dma_wait3A_80 = tpu.memref_slice %arg8[%dma_wait3A_71] : memref<4x!tpu.dma_semaphore, #tpu.memory_space<semaphore_mem>> -> memref<1x!tpu.dma_semaphore, #tpu.memory_space<semaphore_mem>>
    %dma_wait3A_81 = tpu.memref_squeeze %dma_wait3A_80 : memref<1x!tpu.dma_semaphore, #tpu.memory_space<semaphore_mem>> -> memref<!tpu.dma_semaphore, #tpu.memory_space<semaphore_mem>>
    tpu.wait_indirect_dma semaphore(%dma_wait3A_81 : memref<!tpu.dma_semaphore, #tpu.memory_space<semaphore_mem>>) src(%dma_wait3A_79 : memref<100000x512xf32, #tpu.memory_space<hbm>>) dst(%dma_wait3A_74 : memref<32x512xf32, #tpu.memory_space<vmem>>)
    %add3A_82 = arith.constant 32 : i32
    %add3A_83 = arith.addi %mul3A_2, %add3A_82 : i32
    %dma_start3A_84 = arith.constant 1 : i32
    %dma_start3A_85 = arith.constant 32 : i32
    %dma_start3A_86 = arith.constant 0 : i32
    %dma_start3A_87 = tpu.memref_slice %arg7[%dma_start3A_85, %dma_start3A_86] : memref<128x512xf32, #tpu.memory_space<vmem>> -> memref<32x512xf32, #tpu.memory_space<vmem>>
    %dma_start3A_88 = arith.constant 0 : i32
    %dma_start3A_89 = tpu.memref_slice %arg4[%add3A_83, %dma_start3A_88] : memref<4096x512xf32, #tpu.memory_space<hbm>> -> memref<32x512xf32, #tpu.memory_space<hbm>>
    %dma_start3A_90 = tpu.memref_slice %arg9[%dma_start3A_84] : memref<4x!tpu.dma_semaphore, #tpu.memory_space<semaphore_mem>> -> memref<1x!tpu.dma_semaphore, #tpu.memory_space<semaphore_mem>>
    %dma_start3A_91 = tpu.memref_squeeze %dma_start3A_90 : memref<1x!tpu.dma_semaphore, #tpu.memory_space<semaphore_mem>> -> memref<!tpu.dma_semaphore, #tpu.memory_space<semaphore_mem>>
    %dma_start3A_92 = arith.constant 0 : i32
    %dma_start3A_93 = tpu.memref_slice %arg4[%add3A_83, %dma_start3A_92] : memref<4096x512xf32, #tpu.memory_space<hbm>> -> memref<32x512xf32, #tpu.memory_space<hbm>>
    %dma_start3A_94 = arith.constant 32 : i32
    %dma_start3A_95 = arith.constant 0 : i32
    %dma_start3A_96 = tpu.memref_slice %arg7[%dma_start3A_94, %dma_start3A_95] : memref<128x512xf32, #tpu.memory_space<vmem>> -> memref<32x512xf32, #tpu.memory_space<vmem>>
    tpu.enqueue_dma source(%dma_start3A_96 : memref<32x512xf32, #tpu.memory_space<vmem>>) target(%dma_start3A_93 : memref<32x512xf32, #tpu.memory_space<hbm>>) target_semaphore(%dma_start3A_91 : memref<!tpu.dma_semaphore, #tpu.memory_space<semaphore_mem>>)
    %dma_wait3A_97 = arith.constant 2 : i32
    %dma_wait3A_98 = arith.constant 64 : i32
    %dma_wait3A_99 = arith.constant 0 : i32
    %dma_wait3A_100 = tpu.memref_slice %arg7[%dma_wait3A_98, %dma_wait3A_99] : memref<128x512xf32, #tpu.memory_space<vmem>> -> memref<32x512xf32, #tpu.memory_space<vmem>>
    %dma_wait3A_101 = arith.constant 64 : i32
    %dma_wait3A_102 = tpu.memref_slice %arg6[%dma_wait3A_101] : memref<128xi32, #tpu.memory_space<vmem>> -> memref<32xi32, #tpu.memory_space<vmem>>
    %dma_wait3A_103 = arith.constant 0 : i32
    %dma_wait3A_104 = arith.constant 0 : i32
    %dma_wait3A_105 = tpu.memref_slice %arg2[%dma_wait3A_103, %dma_wait3A_104] : memref<100000x512xf32, #tpu.memory_space<hbm>> -> memref<100000x512xf32, #tpu.memory_space<hbm>>
    %dma_wait3A_106 = tpu.memref_slice %arg8[%dma_wait3A_97] : memref<4x!tpu.dma_semaphore, #tpu.memory_space<semaphore_mem>> -> memref<1x!tpu.dma_semaphore, #tpu.memory_space<semaphore_mem>>
    %dma_wait3A_107 = tpu.memref_squeeze %dma_wait3A_106 : memref<1x!tpu.dma_semaphore, #tpu.memory_space<semaphore_mem>> -> memref<!tpu.dma_semaphore, #tpu.memory_space<semaphore_mem>>
    tpu.wait_indirect_dma semaphore(%dma_wait3A_107 : memref<!tpu.dma_semaphore, #tpu.memory_space<semaphore_mem>>) src(%dma_wait3A_105 : memref<100000x512xf32, #tpu.memory_space<hbm>>) dst(%dma_wait3A_100 : memref<32x512xf32, #tpu.memory_space<vmem>>)
    %add3A_108 = arith.constant 64 : i32
    %add3A_109 = arith.addi %mul3A_2, %add3A_108 : i32
    %dma_start3A_110 = arith.constant 2 : i32
    %dma_start3A_111 = arith.constant 64 : i32
    %dma_start3A_112 = arith.constant 0 : i32
    %dma_start3A_113 = tpu.memref_slice %arg7[%dma_start3A_111, %dma_start3A_112] : memref<128x512xf32, #tpu.memory_space<vmem>> -> memref<32x512xf32, #tpu.memory_space<vmem>>
    %dma_start3A_114 = arith.constant 0 : i32
    %dma_start3A_115 = tpu.memref_slice %arg4[%add3A_109, %dma_start3A_114] : memref<4096x512xf32, #tpu.memory_space<hbm>> -> memref<32x512xf32, #tpu.memory_space<hbm>>
    %dma_start3A_116 = tpu.memref_slice %arg9[%dma_start3A_110] : memref<4x!tpu.dma_semaphore, #tpu.memory_space<semaphore_mem>> -> memref<1x!tpu.dma_semaphore, #tpu.memory_space<semaphore_mem>>
    %dma_start3A_117 = tpu.memref_squeeze %dma_start3A_116 : memref<1x!tpu.dma_semaphore, #tpu.memory_space<semaphore_mem>> -> memref<!tpu.dma_semaphore, #tpu.memory_space<semaphore_mem>>
    %dma_start3A_118 = arith.constant 0 : i32
    %dma_start3A_119 = tpu.memref_slice %arg4[%add3A_109, %dma_start3A_118] : memref<4096x512xf32, #tpu.memory_space<hbm>> -> memref<32x512xf32, #tpu.memory_space<hbm>>
    %dma_start3A_120 = arith.constant 64 : i32
    %dma_start3A_121 = arith.constant 0 : i32
    %dma_start3A_122 = tpu.memref_slice %arg7[%dma_start3A_120, %dma_start3A_121] : memref<128x512xf32, #tpu.memory_space<vmem>> -> memref<32x512xf32, #tpu.memory_space<vmem>>
    tpu.enqueue_dma source(%dma_start3A_122 : memref<32x512xf32, #tpu.memory_space<vmem>>) target(%dma_start3A_119 : memref<32x512xf32, #tpu.memory_space<hbm>>) target_semaphore(%dma_start3A_117 : memref<!tpu.dma_semaphore, #tpu.memory_space<semaphore_mem>>)
    %dma_wait3A_123 = arith.constant 3 : i32
    %dma_wait3A_124 = arith.constant 96 : i32
    %dma_wait3A_125 = arith.constant 0 : i32
    %dma_wait3A_126 = tpu.memref_slice %arg7[%dma_wait3A_124, %dma_wait3A_125] : memref<128x512xf32, #tpu.memory_space<vmem>> -> memref<32x512xf32, #tpu.memory_space<vmem>>
    %dma_wait3A_127 = arith.constant 96 : i32
    %dma_wait3A_128 = tpu.memref_slice %arg6[%dma_wait3A_127] : memref<128xi32, #tpu.memory_space<vmem>> -> memref<32xi32, #tpu.memory_space<vmem>>
    %dma_wait3A_129 = arith.constant 0 : i32
    %dma_wait3A_130 = arith.constant 0 : i32
    %dma_wait3A_131 = tpu.memref_slice %arg2[%dma_wait3A_129, %dma_wait3A_130] : memref<100000x512xf32, #tpu.memory_space<hbm>> -> memref<100000x512xf32, #tpu.memory_space<hbm>>
    %dma_wait3A_132 = tpu.memref_slice %arg8[%dma_wait3A_123] : memref<4x!tpu.dma_semaphore, #tpu.memory_space<semaphore_mem>> -> memref<1x!tpu.dma_semaphore, #tpu.memory_space<semaphore_mem>>
    %dma_wait3A_133 = tpu.memref_squeeze %dma_wait3A_132 : memref<1x!tpu.dma_semaphore, #tpu.memory_space<semaphore_mem>> -> memref<!tpu.dma_semaphore, #tpu.memory_space<semaphore_mem>>
    tpu.wait_indirect_dma semaphore(%dma_wait3A_133 : memref<!tpu.dma_semaphore, #tpu.memory_space<semaphore_mem>>) src(%dma_wait3A_131 : memref<100000x512xf32, #tpu.memory_space<hbm>>) dst(%dma_wait3A_126 : memref<32x512xf32, #tpu.memory_space<vmem>>)
    %add3A_134 = arith.constant 96 : i32
    %add3A_135 = arith.addi %mul3A_2, %add3A_134 : i32
    %dma_start3A_136 = arith.constant 3 : i32
    %dma_start3A_137 = arith.constant 96 : i32
    %dma_start3A_138 = arith.constant 0 : i32
    %dma_start3A_139 = tpu.memref_slice %arg7[%dma_start3A_137, %dma_start3A_138] : memref<128x512xf32, #tpu.memory_space<vmem>> -> memref<32x512xf32, #tpu.memory_space<vmem>>
    %dma_start3A_140 = arith.constant 0 : i32
    %dma_start3A_141 = tpu.memref_slice %arg4[%add3A_135, %dma_start3A_140] : memref<4096x512xf32, #tpu.memory_space<hbm>> -> memref<32x512xf32, #tpu.memory_space<hbm>>
    %dma_start3A_142 = tpu.memref_slice %arg9[%dma_start3A_136] : memref<4x!tpu.dma_semaphore, #tpu.memory_space<semaphore_mem>> -> memref<1x!tpu.dma_semaphore, #tpu.memory_space<semaphore_mem>>
    %dma_start3A_143 = tpu.memref_squeeze %dma_start3A_142 : memref<1x!tpu.dma_semaphore, #tpu.memory_space<semaphore_mem>> -> memref<!tpu.dma_semaphore, #tpu.memory_space<semaphore_mem>>
    %dma_start3A_144 = arith.constant 0 : i32
    %dma_start3A_145 = tpu.memref_slice %arg4[%add3A_135, %dma_start3A_144] : memref<4096x512xf32, #tpu.memory_space<hbm>> -> memref<32x512xf32, #tpu.memory_space<hbm>>
    %dma_start3A_146 = arith.constant 96 : i32
    %dma_start3A_147 = arith.constant 0 : i32
    %dma_start3A_148 = tpu.memref_slice %arg7[%dma_start3A_146, %dma_start3A_147] : memref<128x512xf32, #tpu.memory_space<vmem>> -> memref<32x512xf32, #tpu.memory_space<vmem>>
    tpu.enqueue_dma source(%dma_start3A_148 : memref<32x512xf32, #tpu.memory_space<vmem>>) target(%dma_start3A_145 : memref<32x512xf32, #tpu.memory_space<hbm>>) target_semaphore(%dma_start3A_143 : memref<!tpu.dma_semaphore, #tpu.memory_space<semaphore_mem>>)
    %dma_wait3A_149 = arith.constant 0 : i32
    %dma_wait3A_150 = arith.constant 0 : i32
    %dma_wait3A_151 = arith.constant 0 : i32
    %dma_wait3A_152 = tpu.memref_slice %arg7[%dma_wait3A_150, %dma_wait3A_151] : memref<128x512xf32, #tpu.memory_space<vmem>> -> memref<32x512xf32, #tpu.memory_space<vmem>>
    %dma_wait3A_153 = arith.constant 0 : i32
    %dma_wait3A_154 = tpu.memref_slice %arg4[%add3A_57, %dma_wait3A_153] : memref<4096x512xf32, #tpu.memory_space<hbm>> -> memref<32x512xf32, #tpu.memory_space<hbm>>
    %dma_wait3A_155 = tpu.memref_slice %arg9[%dma_wait3A_149] : memref<4x!tpu.dma_semaphore, #tpu.memory_space<semaphore_mem>> -> memref<1x!tpu.dma_semaphore, #tpu.memory_space<semaphore_mem>>
    %dma_wait3A_156 = tpu.memref_squeeze %dma_wait3A_155 : memref<1x!tpu.dma_semaphore, #tpu.memory_space<semaphore_mem>> -> memref<!tpu.dma_semaphore, #tpu.memory_space<semaphore_mem>>
    %dma_wait3A_157 = arith.constant 0 : i32
    %dma_wait3A_158 = tpu.memref_slice %arg4[%add3A_57, %dma_wait3A_157] : memref<4096x512xf32, #tpu.memory_space<hbm>> -> memref<32x512xf32, #tpu.memory_space<hbm>>
    %dma_wait3A_159 = arith.constant 0 : i32
    %dma_wait3A_160 = arith.constant 0 : i32
    %dma_wait3A_161 = tpu.memref_slice %arg7[%dma_wait3A_159, %dma_wait3A_160] : memref<128x512xf32, #tpu.memory_space<vmem>> -> memref<32x512xf32, #tpu.memory_space<vmem>>
    tpu.wait_dma2 semaphore(%dma_wait3A_156 : memref<!tpu.dma_semaphore, #tpu.memory_space<semaphore_mem>>) src(%dma_wait3A_161 : memref<32x512xf32, #tpu.memory_space<vmem>>) dst(%dma_wait3A_158 : memref<32x512xf32, #tpu.memory_space<hbm>>)
    %dma_wait3A_162 = arith.constant 1 : i32
    %dma_wait3A_163 = arith.constant 32 : i32
    %dma_wait3A_164 = arith.constant 0 : i32
    %dma_wait3A_165 = tpu.memref_slice %arg7[%dma_wait3A_163, %dma_wait3A_164] : memref<128x512xf32, #tpu.memory_space<vmem>> -> memref<32x512xf32, #tpu.memory_space<vmem>>
    %dma_wait3A_166 = arith.constant 0 : i32
    %dma_wait3A_167 = tpu.memref_slice %arg4[%add3A_83, %dma_wait3A_166] : memref<4096x512xf32, #tpu.memory_space<hbm>> -> memref<32x512xf32, #tpu.memory_space<hbm>>
    %dma_wait3A_168 = tpu.memref_slice %arg9[%dma_wait3A_162] : memref<4x!tpu.dma_semaphore, #tpu.memory_space<semaphore_mem>> -> memref<1x!tpu.dma_semaphore, #tpu.memory_space<semaphore_mem>>
    %dma_wait3A_169 = tpu.memref_squeeze %dma_wait3A_168 : memref<1x!tpu.dma_semaphore, #tpu.memory_space<semaphore_mem>> -> memref<!tpu.dma_semaphore, #tpu.memory_space<semaphore_mem>>
    %dma_wait3A_170 = arith.constant 0 : i32
    %dma_wait3A_171 = tpu.memref_slice %arg4[%add3A_83, %dma_wait3A_170] : memref<4096x512xf32, #tpu.memory_space<hbm>> -> memref<32x512xf32, #tpu.memory_space<hbm>>
    %dma_wait3A_172 = arith.constant 32 : i32
    %dma_wait3A_173 = arith.constant 0 : i32
    %dma_wait3A_174 = tpu.memref_slice %arg7[%dma_wait3A_172, %dma_wait3A_173] : memref<128x512xf32, #tpu.memory_space<vmem>> -> memref<32x512xf32, #tpu.memory_space<vmem>>
    tpu.wait_dma2 semaphore(%dma_wait3A_169 : memref<!tpu.dma_semaphore, #tpu.memory_space<semaphore_mem>>) src(%dma_wait3A_174 : memref<32x512xf32, #tpu.memory_space<vmem>>) dst(%dma_wait3A_171 : memref<32x512xf32, #tpu.memory_space<hbm>>)
    %dma_wait3A_175 = arith.constant 2 : i32
    %dma_wait3A_176 = arith.constant 64 : i32
    %dma_wait3A_177 = arith.constant 0 : i32
    %dma_wait3A_178 = tpu.memref_slice %arg7[%dma_wait3A_176, %dma_wait3A_177] : memref<128x512xf32, #tpu.memory_space<vmem>> -> memref<32x512xf32, #tpu.memory_space<vmem>>
    %dma_wait3A_179 = arith.constant 0 : i32
    %dma_wait3A_180 = tpu.memref_slice %arg4[%add3A_109, %dma_wait3A_179] : memref<4096x512xf32, #tpu.memory_space<hbm>> -> memref<32x512xf32, #tpu.memory_space<hbm>>
    %dma_wait3A_181 = tpu.memref_slice %arg9[%dma_wait3A_175] : memref<4x!tpu.dma_semaphore, #tpu.memory_space<semaphore_mem>> -> memref<1x!tpu.dma_semaphore, #tpu.memory_space<semaphore_mem>>
    %dma_wait3A_182 = tpu.memref_squeeze %dma_wait3A_181 : memref<1x!tpu.dma_semaphore, #tpu.memory_space<semaphore_mem>> -> memref<!tpu.dma_semaphore, #tpu.memory_space<semaphore_mem>>
    %dma_wait3A_183 = arith.constant 0 : i32
    %dma_wait3A_184 = tpu.memref_slice %arg4[%add3A_109, %dma_wait3A_183] : memref<4096x512xf32, #tpu.memory_space<hbm>> -> memref<32x512xf32, #tpu.memory_space<hbm>>
    %dma_wait3A_185 = arith.constant 64 : i32
    %dma_wait3A_186 = arith.constant 0 : i32
    %dma_wait3A_187 = tpu.memref_slice %arg7[%dma_wait3A_185, %dma_wait3A_186] : memref<128x512xf32, #tpu.memory_space<vmem>> -> memref<32x512xf32, #tpu.memory_space<vmem>>
    tpu.wait_dma2 semaphore(%dma_wait3A_182 : memref<!tpu.dma_semaphore, #tpu.memory_space<semaphore_mem>>) src(%dma_wait3A_187 : memref<32x512xf32, #tpu.memory_space<vmem>>) dst(%dma_wait3A_184 : memref<32x512xf32, #tpu.memory_space<hbm>>)
    %dma_wait3A_188 = arith.constant 3 : i32
    %dma_wait3A_189 = arith.constant 96 : i32
    %dma_wait3A_190 = arith.constant 0 : i32
    %dma_wait3A_191 = tpu.memref_slice %arg7[%dma_wait3A_189, %dma_wait3A_190] : memref<128x512xf32, #tpu.memory_space<vmem>> -> memref<32x512xf32, #tpu.memory_space<vmem>>
    %dma_wait3A_192 = arith.constant 0 : i32
    %dma_wait3A_193 = tpu.memref_slice %arg4[%add3A_135, %dma_wait3A_192] : memref<4096x512xf32, #tpu.memory_space<hbm>> -> memref<32x512xf32, #tpu.memory_space<hbm>>
    %dma_wait3A_194 = tpu.memref_slice %arg9[%dma_wait3A_188] : memref<4x!tpu.dma_semaphore, #tpu.memory_space<semaphore_mem>> -> memref<1x!tpu.dma_semaphore, #tpu.memory_space<semaphore_mem>>
    %dma_wait3A_195 = tpu.memref_squeeze %dma_wait3A_194 : memref<1x!tpu.dma_semaphore, #tpu.memory_space<semaphore_mem>> -> memref<!tpu.dma_semaphore, #tpu.memory_space<semaphore_mem>>
    %dma_wait3A_196 = arith.constant 0 : i32
    %dma_wait3A_197 = tpu.memref_slice %arg4[%add3A_135, %dma_wait3A_196] : memref<4096x512xf32, #tpu.memory_space<hbm>> -> memref<32x512xf32, #tpu.memory_space<hbm>>
    %dma_wait3A_198 = arith.constant 96 : i32
    %dma_wait3A_199 = arith.constant 0 : i32
    %dma_wait3A_200 = tpu.memref_slice %arg7[%dma_wait3A_198, %dma_wait3A_199] : memref<128x512xf32, #tpu.memory_space<vmem>> -> memref<32x512xf32, #tpu.memory_space<vmem>>
    tpu.wait_dma2 semaphore(%dma_wait3A_195 : memref<!tpu.dma_semaphore, #tpu.memory_space<semaphore_mem>>) src(%dma_wait3A_200 : memref<32x512xf32, #tpu.memory_space<vmem>>) dst(%dma_wait3A_197 : memref<32x512xf32, #tpu.memory_space<hbm>>)
    return
  }
}

#map = affine_map<(d0, d1) -> (0, 0)>
module attributes {stable_mosaic.version = 14 : i64} {
  func.func @new_body(%arg0: i32, %arg1: i32, %arg2: memref<100000x512xf32, #tpu.memory_space<hbm>>, %arg3: memref<4096x512xf32, #tpu.memory_space<hbm>>, %arg4: memref<2x4096xi32, #tpu.memory_space<hbm>>, %arg5: memref<100000x512xf32, #tpu.memory_space<hbm>>, %arg6: memref<2x128xi32, #tpu.memory_space<vmem>>, %arg7: memref<128x512xf32, #tpu.memory_space<vmem>>, %arg8: memref<4x!tpu.dma_semaphore, #tpu.memory_space<semaphore_mem>>, %arg9: memref<4x!tpu.dma_semaphore, #tpu.memory_space<semaphore_mem>>) attributes {dimension_semantics = [#tpu.dimension_semantics<core_parallel>, #tpu.dimension_semantics<subcore_parallel>], iteration_bounds = array<i64: 2, 16>, scalar_prefetch = 0 : i64, scratch_operands = 4 : i64, tpu.core_type = #tpu.core_type<sc_vector_subcore>, window_params = [{transform_indices = #map}, {transform_indices = #map}, {transform_indices = #map}, {transform_indices = #map}]} {
    %mul3A = arith.constant 2 : i32
    %mul3A_0 = arith.muli %arg1, %mul3A : i32
    %add3A = arith.addi %mul3A_0, %arg0 : i32
    %mul3A_1 = arith.constant 128 : i32
    %mul3A_2 = arith.muli %add3A, %mul3A_1 : i32
    "tpu.region"() ({
      %run_scoped3A = tpu.sem_alloc : memref<!tpu.dma_semaphore, #tpu.memory_space<semaphore_mem>>
      %dma_start3A_209 = arith.constant 0 : i32
      %dma_start3A_210 = tpu.memref_slice %arg4[%dma_start3A_209, %mul3A_2] : memref<2x4096xi32, #tpu.memory_space<hbm>> -> memref<2x128xi32, #tpu.memory_space<hbm>>
      %dma_start3A_211 = arith.constant 0 : i32
      %dma_start3A_212 = tpu.memref_slice %arg4[%dma_start3A_211, %mul3A_2] : memref<2x4096xi32, #tpu.memory_space<hbm>> -> memref<2x128xi32, #tpu.memory_space<hbm>>
      tpu.enqueue_dma source(%dma_start3A_212 : memref<2x128xi32, #tpu.memory_space<hbm>>) target(%arg6 : memref<2x128xi32, #tpu.memory_space<vmem>>) target_semaphore(%run_scoped3A : memref<!tpu.dma_semaphore, #tpu.memory_space<semaphore_mem>>)
      %dma_wait3A_213 = arith.constant 0 : i32
      %dma_wait3A_214 = tpu.memref_slice %arg4[%dma_wait3A_213, %mul3A_2] : memref<2x4096xi32, #tpu.memory_space<hbm>> -> memref<2x128xi32, #tpu.memory_space<hbm>>
      %dma_wait3A_215 = arith.constant 0 : i32
      %dma_wait3A_216 = tpu.memref_slice %arg4[%dma_wait3A_215, %mul3A_2] : memref<2x4096xi32, #tpu.memory_space<hbm>> -> memref<2x128xi32, #tpu.memory_space<hbm>>
      tpu.wait_dma2 semaphore(%run_scoped3A : memref<!tpu.dma_semaphore, #tpu.memory_space<semaphore_mem>>) src(%dma_wait3A_216 : memref<2x128xi32, #tpu.memory_space<hbm>>) dst(%arg6 : memref<2x128xi32, #tpu.memory_space<vmem>>)
      tpu.yield
    }) : () -> ()
    %dma_start3A = arith.constant 1 : i32
    %dma_start3A_3 = arith.constant 0 : i32
    %dma_start3A_4 = arith.constant 0 : i32
    %dma_start3A_5 = arith.constant 0 : i32
    %dma_start3A_6 = tpu.memref_slice %arg7[%dma_start3A_4, %dma_start3A_5] : memref<128x512xf32, #tpu.memory_space<vmem>> -> memref<32x512xf32, #tpu.memory_space<vmem>>
    %dma_start3A_7 = arith.constant 0 : i32
    %dma_start3A_8 = tpu.memref_slice %arg6[%dma_start3A, %dma_start3A_7] : memref<2x128xi32, #tpu.memory_space<vmem>> -> memref<1x32xi32, #tpu.memory_space<vmem>>
    %dma_start3A_9 = tpu.memref_squeeze %dma_start3A_8 : memref<1x32xi32, #tpu.memory_space<vmem>> -> memref<32xi32, #tpu.memory_space<vmem>>
    %dma_start3A_10 = arith.constant 0 : i32
    %dma_start3A_11 = arith.constant 0 : i32
    %dma_start3A_12 = tpu.memref_slice %arg3[%dma_start3A_10, %dma_start3A_11] : memref<4096x512xf32, #tpu.memory_space<hbm>> -> memref<4096x512xf32, #tpu.memory_space<hbm>>
    %dma_start3A_13 = tpu.memref_slice %arg8[%dma_start3A_3] : memref<4x!tpu.dma_semaphore, #tpu.memory_space<semaphore_mem>> -> memref<1x!tpu.dma_semaphore, #tpu.memory_space<semaphore_mem>>
    %dma_start3A_14 = tpu.memref_squeeze %dma_start3A_13 : memref<1x!tpu.dma_semaphore, #tpu.memory_space<semaphore_mem>> -> memref<!tpu.dma_semaphore, #tpu.memory_space<semaphore_mem>>
    tpu.enqueue_indirect_dma source(%dma_start3A_12 : memref<4096x512xf32, #tpu.memory_space<hbm>>) target(%dma_start3A_6 : memref<32x512xf32, #tpu.memory_space<vmem>>) offsets(%dma_start3A_9 : memref<32xi32, #tpu.memory_space<vmem>>) semaphore(%dma_start3A_14 : memref<!tpu.dma_semaphore, #tpu.memory_space<semaphore_mem>>)
    %dma_start3A_15 = arith.constant 1 : i32
    %dma_start3A_16 = arith.constant 1 : i32
    %dma_start3A_17 = arith.constant 32 : i32
    %dma_start3A_18 = arith.constant 0 : i32
    %dma_start3A_19 = tpu.memref_slice %arg7[%dma_start3A_17, %dma_start3A_18] : memref<128x512xf32, #tpu.memory_space<vmem>> -> memref<32x512xf32, #tpu.memory_space<vmem>>
    %dma_start3A_20 = arith.constant 32 : i32
    %dma_start3A_21 = tpu.memref_slice %arg6[%dma_start3A_15, %dma_start3A_20] : memref<2x128xi32, #tpu.memory_space<vmem>> -> memref<1x32xi32, #tpu.memory_space<vmem>>
    %dma_start3A_22 = tpu.memref_squeeze %dma_start3A_21 : memref<1x32xi32, #tpu.memory_space<vmem>> -> memref<32xi32, #tpu.memory_space<vmem>>
    %dma_start3A_23 = arith.constant 0 : i32
    %dma_start3A_24 = arith.constant 0 : i32
    %dma_start3A_25 = tpu.memref_slice %arg3[%dma_start3A_23, %dma_start3A_24] : memref<4096x512xf32, #tpu.memory_space<hbm>> -> memref<4096x512xf32, #tpu.memory_space<hbm>>
    %dma_start3A_26 = tpu.memref_slice %arg8[%dma_start3A_16] : memref<4x!tpu.dma_semaphore, #tpu.memory_space<semaphore_mem>> -> memref<1x!tpu.dma_semaphore, #tpu.memory_space<semaphore_mem>>
    %dma_start3A_27 = tpu.memref_squeeze %dma_start3A_26 : memref<1x!tpu.dma_semaphore, #tpu.memory_space<semaphore_mem>> -> memref<!tpu.dma_semaphore, #tpu.memory_space<semaphore_mem>>
    tpu.enqueue_indirect_dma source(%dma_start3A_25 : memref<4096x512xf32, #tpu.memory_space<hbm>>) target(%dma_start3A_19 : memref<32x512xf32, #tpu.memory_space<vmem>>) offsets(%dma_start3A_22 : memref<32xi32, #tpu.memory_space<vmem>>) semaphore(%dma_start3A_27 : memref<!tpu.dma_semaphore, #tpu.memory_space<semaphore_mem>>)
    %dma_start3A_28 = arith.constant 1 : i32
    %dma_start3A_29 = arith.constant 2 : i32
    %dma_start3A_30 = arith.constant 64 : i32
    %dma_start3A_31 = arith.constant 0 : i32
    %dma_start3A_32 = tpu.memref_slice %arg7[%dma_start3A_30, %dma_start3A_31] : memref<128x512xf32, #tpu.memory_space<vmem>> -> memref<32x512xf32, #tpu.memory_space<vmem>>
    %dma_start3A_33 = arith.constant 64 : i32
    %dma_start3A_34 = tpu.memref_slice %arg6[%dma_start3A_28, %dma_start3A_33] : memref<2x128xi32, #tpu.memory_space<vmem>> -> memref<1x32xi32, #tpu.memory_space<vmem>>
    %dma_start3A_35 = tpu.memref_squeeze %dma_start3A_34 : memref<1x32xi32, #tpu.memory_space<vmem>> -> memref<32xi32, #tpu.memory_space<vmem>>
    %dma_start3A_36 = arith.constant 0 : i32
    %dma_start3A_37 = arith.constant 0 : i32
    %dma_start3A_38 = tpu.memref_slice %arg3[%dma_start3A_36, %dma_start3A_37] : memref<4096x512xf32, #tpu.memory_space<hbm>> -> memref<4096x512xf32, #tpu.memory_space<hbm>>
    %dma_start3A_39 = tpu.memref_slice %arg8[%dma_start3A_29] : memref<4x!tpu.dma_semaphore, #tpu.memory_space<semaphore_mem>> -> memref<1x!tpu.dma_semaphore, #tpu.memory_space<semaphore_mem>>
    %dma_start3A_40 = tpu.memref_squeeze %dma_start3A_39 : memref<1x!tpu.dma_semaphore, #tpu.memory_space<semaphore_mem>> -> memref<!tpu.dma_semaphore, #tpu.memory_space<semaphore_mem>>
    tpu.enqueue_indirect_dma source(%dma_start3A_38 : memref<4096x512xf32, #tpu.memory_space<hbm>>) target(%dma_start3A_32 : memref<32x512xf32, #tpu.memory_space<vmem>>) offsets(%dma_start3A_35 : memref<32xi32, #tpu.memory_space<vmem>>) semaphore(%dma_start3A_40 : memref<!tpu.dma_semaphore, #tpu.memory_space<semaphore_mem>>)
    %dma_start3A_41 = arith.constant 1 : i32
    %dma_start3A_42 = arith.constant 3 : i32
    %dma_start3A_43 = arith.constant 96 : i32
    %dma_start3A_44 = arith.constant 0 : i32
    %dma_start3A_45 = tpu.memref_slice %arg7[%dma_start3A_43, %dma_start3A_44] : memref<128x512xf32, #tpu.memory_space<vmem>> -> memref<32x512xf32, #tpu.memory_space<vmem>>
    %dma_start3A_46 = arith.constant 96 : i32
    %dma_start3A_47 = tpu.memref_slice %arg6[%dma_start3A_41, %dma_start3A_46] : memref<2x128xi32, #tpu.memory_space<vmem>> -> memref<1x32xi32, #tpu.memory_space<vmem>>
    %dma_start3A_48 = tpu.memref_squeeze %dma_start3A_47 : memref<1x32xi32, #tpu.memory_space<vmem>> -> memref<32xi32, #tpu.memory_space<vmem>>
    %dma_start3A_49 = arith.constant 0 : i32
    %dma_start3A_50 = arith.constant 0 : i32
    %dma_start3A_51 = tpu.memref_slice %arg3[%dma_start3A_49, %dma_start3A_50] : memref<4096x512xf32, #tpu.memory_space<hbm>> -> memref<4096x512xf32, #tpu.memory_space<hbm>>
    %dma_start3A_52 = tpu.memref_slice %arg8[%dma_start3A_42] : memref<4x!tpu.dma_semaphore, #tpu.memory_space<semaphore_mem>> -> memref<1x!tpu.dma_semaphore, #tpu.memory_space<semaphore_mem>>
    %dma_start3A_53 = tpu.memref_squeeze %dma_start3A_52 : memref<1x!tpu.dma_semaphore, #tpu.memory_space<semaphore_mem>> -> memref<!tpu.dma_semaphore, #tpu.memory_space<semaphore_mem>>
    tpu.enqueue_indirect_dma source(%dma_start3A_51 : memref<4096x512xf32, #tpu.memory_space<hbm>>) target(%dma_start3A_45 : memref<32x512xf32, #tpu.memory_space<vmem>>) offsets(%dma_start3A_48 : memref<32xi32, #tpu.memory_space<vmem>>) semaphore(%dma_start3A_53 : memref<!tpu.dma_semaphore, #tpu.memory_space<semaphore_mem>>)
    %dma_wait3A = arith.constant 1 : i32
    %dma_wait3A_54 = arith.constant 0 : i32
    %dma_wait3A_55 = arith.constant 0 : i32
    %dma_wait3A_56 = arith.constant 0 : i32
    %dma_wait3A_57 = tpu.memref_slice %arg7[%dma_wait3A_55, %dma_wait3A_56] : memref<128x512xf32, #tpu.memory_space<vmem>> -> memref<32x512xf32, #tpu.memory_space<vmem>>
    %dma_wait3A_58 = arith.constant 0 : i32
    %dma_wait3A_59 = tpu.memref_slice %arg6[%dma_wait3A, %dma_wait3A_58] : memref<2x128xi32, #tpu.memory_space<vmem>> -> memref<1x32xi32, #tpu.memory_space<vmem>>
    %dma_wait3A_60 = tpu.memref_squeeze %dma_wait3A_59 : memref<1x32xi32, #tpu.memory_space<vmem>> -> memref<32xi32, #tpu.memory_space<vmem>>
    %dma_wait3A_61 = arith.constant 0 : i32
    %dma_wait3A_62 = arith.constant 0 : i32
    %dma_wait3A_63 = tpu.memref_slice %arg3[%dma_wait3A_61, %dma_wait3A_62] : memref<4096x512xf32, #tpu.memory_space<hbm>> -> memref<4096x512xf32, #tpu.memory_space<hbm>>
    %dma_wait3A_64 = tpu.memref_slice %arg8[%dma_wait3A_54] : memref<4x!tpu.dma_semaphore, #tpu.memory_space<semaphore_mem>> -> memref<1x!tpu.dma_semaphore, #tpu.memory_space<semaphore_mem>>
    %dma_wait3A_65 = tpu.memref_squeeze %dma_wait3A_64 : memref<1x!tpu.dma_semaphore, #tpu.memory_space<semaphore_mem>> -> memref<!tpu.dma_semaphore, #tpu.memory_space<semaphore_mem>>
    tpu.wait_indirect_dma semaphore(%dma_wait3A_65 : memref<!tpu.dma_semaphore, #tpu.memory_space<semaphore_mem>>) src(%dma_wait3A_63 : memref<4096x512xf32, #tpu.memory_space<hbm>>) dst(%dma_wait3A_57 : memref<32x512xf32, #tpu.memory_space<vmem>>)
    %dma_start3A_66 = arith.constant 0 : i32
    %dma_start3A_67 = arith.constant 0 : i32
    %dma_start3A_68 = arith.constant 0 : i32
    %dma_start3A_69 = arith.constant 0 : i32
    %dma_start3A_70 = tpu.memref_slice %arg7[%dma_start3A_68, %dma_start3A_69] : memref<128x512xf32, #tpu.memory_space<vmem>> -> memref<32x512xf32, #tpu.memory_space<vmem>>
    %dma_start3A_71 = arith.constant 0 : i32
    %dma_start3A_72 = tpu.memref_slice %arg6[%dma_start3A_66, %dma_start3A_71] : memref<2x128xi32, #tpu.memory_space<vmem>> -> memref<1x32xi32, #tpu.memory_space<vmem>>
    %dma_start3A_73 = tpu.memref_squeeze %dma_start3A_72 : memref<1x32xi32, #tpu.memory_space<vmem>> -> memref<32xi32, #tpu.memory_space<vmem>>
    %dma_start3A_74 = arith.constant 0 : i32
    %dma_start3A_75 = arith.constant 0 : i32
    %dma_start3A_76 = tpu.memref_slice %arg2[%dma_start3A_74, %dma_start3A_75] : memref<100000x512xf32, #tpu.memory_space<hbm>> -> memref<100000x512xf32, #tpu.memory_space<hbm>>
    %dma_start3A_77 = tpu.memref_slice %arg9[%dma_start3A_67] : memref<4x!tpu.dma_semaphore, #tpu.memory_space<semaphore_mem>> -> memref<1x!tpu.dma_semaphore, #tpu.memory_space<semaphore_mem>>
    %dma_start3A_78 = tpu.memref_squeeze %dma_start3A_77 : memref<1x!tpu.dma_semaphore, #tpu.memory_space<semaphore_mem>> -> memref<!tpu.dma_semaphore, #tpu.memory_space<semaphore_mem>>
    tpu.enqueue_indirect_dma source(%dma_start3A_70 : memref<32x512xf32, #tpu.memory_space<vmem>>) target(%dma_start3A_76 : memref<100000x512xf32, #tpu.memory_space<hbm>>) offsets(%dma_start3A_73 : memref<32xi32, #tpu.memory_space<vmem>>) semaphore(%dma_start3A_78 : memref<!tpu.dma_semaphore, #tpu.memory_space<semaphore_mem>>)
    %dma_wait3A_79 = arith.constant 1 : i32
    %dma_wait3A_80 = arith.constant 1 : i32
    %dma_wait3A_81 = arith.constant 32 : i32
    %dma_wait3A_82 = arith.constant 0 : i32
    %dma_wait3A_83 = tpu.memref_slice %arg7[%dma_wait3A_81, %dma_wait3A_82] : memref<128x512xf32, #tpu.memory_space<vmem>> -> memref<32x512xf32, #tpu.memory_space<vmem>>
    %dma_wait3A_84 = arith.constant 32 : i32
    %dma_wait3A_85 = tpu.memref_slice %arg6[%dma_wait3A_79, %dma_wait3A_84] : memref<2x128xi32, #tpu.memory_space<vmem>> -> memref<1x32xi32, #tpu.memory_space<vmem>>
    %dma_wait3A_86 = tpu.memref_squeeze %dma_wait3A_85 : memref<1x32xi32, #tpu.memory_space<vmem>> -> memref<32xi32, #tpu.memory_space<vmem>>
    %dma_wait3A_87 = arith.constant 0 : i32
    %dma_wait3A_88 = arith.constant 0 : i32
    %dma_wait3A_89 = tpu.memref_slice %arg3[%dma_wait3A_87, %dma_wait3A_88] : memref<4096x512xf32, #tpu.memory_space<hbm>> -> memref<4096x512xf32, #tpu.memory_space<hbm>>
    %dma_wait3A_90 = tpu.memref_slice %arg8[%dma_wait3A_80] : memref<4x!tpu.dma_semaphore, #tpu.memory_space<semaphore_mem>> -> memref<1x!tpu.dma_semaphore, #tpu.memory_space<semaphore_mem>>
    %dma_wait3A_91 = tpu.memref_squeeze %dma_wait3A_90 : memref<1x!tpu.dma_semaphore, #tpu.memory_space<semaphore_mem>> -> memref<!tpu.dma_semaphore, #tpu.memory_space<semaphore_mem>>
    tpu.wait_indirect_dma semaphore(%dma_wait3A_91 : memref<!tpu.dma_semaphore, #tpu.memory_space<semaphore_mem>>) src(%dma_wait3A_89 : memref<4096x512xf32, #tpu.memory_space<hbm>>) dst(%dma_wait3A_83 : memref<32x512xf32, #tpu.memory_space<vmem>>)
    %dma_start3A_92 = arith.constant 0 : i32
    %dma_start3A_93 = arith.constant 1 : i32
    %dma_start3A_94 = arith.constant 32 : i32
    %dma_start3A_95 = arith.constant 0 : i32
    %dma_start3A_96 = tpu.memref_slice %arg7[%dma_start3A_94, %dma_start3A_95] : memref<128x512xf32, #tpu.memory_space<vmem>> -> memref<32x512xf32, #tpu.memory_space<vmem>>
    %dma_start3A_97 = arith.constant 32 : i32
    %dma_start3A_98 = tpu.memref_slice %arg6[%dma_start3A_92, %dma_start3A_97] : memref<2x128xi32, #tpu.memory_space<vmem>> -> memref<1x32xi32, #tpu.memory_space<vmem>>
    %dma_start3A_99 = tpu.memref_squeeze %dma_start3A_98 : memref<1x32xi32, #tpu.memory_space<vmem>> -> memref<32xi32, #tpu.memory_space<vmem>>
    %dma_start3A_100 = arith.constant 0 : i32
    %dma_start3A_101 = arith.constant 0 : i32
    %dma_start3A_102 = tpu.memref_slice %arg2[%dma_start3A_100, %dma_start3A_101] : memref<100000x512xf32, #tpu.memory_space<hbm>> -> memref<100000x512xf32, #tpu.memory_space<hbm>>
    %dma_start3A_103 = tpu.memref_slice %arg9[%dma_start3A_93] : memref<4x!tpu.dma_semaphore, #tpu.memory_space<semaphore_mem>> -> memref<1x!tpu.dma_semaphore, #tpu.memory_space<semaphore_mem>>
    %dma_start3A_104 = tpu.memref_squeeze %dma_start3A_103 : memref<1x!tpu.dma_semaphore, #tpu.memory_space<semaphore_mem>> -> memref<!tpu.dma_semaphore, #tpu.memory_space<semaphore_mem>>
    tpu.enqueue_indirect_dma source(%dma_start3A_96 : memref<32x512xf32, #tpu.memory_space<vmem>>) target(%dma_start3A_102 : memref<100000x512xf32, #tpu.memory_space<hbm>>) offsets(%dma_start3A_99 : memref<32xi32, #tpu.memory_space<vmem>>) semaphore(%dma_start3A_104 : memref<!tpu.dma_semaphore, #tpu.memory_space<semaphore_mem>>)
    %dma_wait3A_105 = arith.constant 1 : i32
    %dma_wait3A_106 = arith.constant 2 : i32
    %dma_wait3A_107 = arith.constant 64 : i32
    %dma_wait3A_108 = arith.constant 0 : i32
    %dma_wait3A_109 = tpu.memref_slice %arg7[%dma_wait3A_107, %dma_wait3A_108] : memref<128x512xf32, #tpu.memory_space<vmem>> -> memref<32x512xf32, #tpu.memory_space<vmem>>
    %dma_wait3A_110 = arith.constant 64 : i32
    %dma_wait3A_111 = tpu.memref_slice %arg6[%dma_wait3A_105, %dma_wait3A_110] : memref<2x128xi32, #tpu.memory_space<vmem>> -> memref<1x32xi32, #tpu.memory_space<vmem>>
    %dma_wait3A_112 = tpu.memref_squeeze %dma_wait3A_111 : memref<1x32xi32, #tpu.memory_space<vmem>> -> memref<32xi32, #tpu.memory_space<vmem>>
    %dma_wait3A_113 = arith.constant 0 : i32
    %dma_wait3A_114 = arith.constant 0 : i32
    %dma_wait3A_115 = tpu.memref_slice %arg3[%dma_wait3A_113, %dma_wait3A_114] : memref<4096x512xf32, #tpu.memory_space<hbm>> -> memref<4096x512xf32, #tpu.memory_space<hbm>>
    %dma_wait3A_116 = tpu.memref_slice %arg8[%dma_wait3A_106] : memref<4x!tpu.dma_semaphore, #tpu.memory_space<semaphore_mem>> -> memref<1x!tpu.dma_semaphore, #tpu.memory_space<semaphore_mem>>
    %dma_wait3A_117 = tpu.memref_squeeze %dma_wait3A_116 : memref<1x!tpu.dma_semaphore, #tpu.memory_space<semaphore_mem>> -> memref<!tpu.dma_semaphore, #tpu.memory_space<semaphore_mem>>
    tpu.wait_indirect_dma semaphore(%dma_wait3A_117 : memref<!tpu.dma_semaphore, #tpu.memory_space<semaphore_mem>>) src(%dma_wait3A_115 : memref<4096x512xf32, #tpu.memory_space<hbm>>) dst(%dma_wait3A_109 : memref<32x512xf32, #tpu.memory_space<vmem>>)
    %dma_start3A_118 = arith.constant 0 : i32
    %dma_start3A_119 = arith.constant 2 : i32
    %dma_start3A_120 = arith.constant 64 : i32
    %dma_start3A_121 = arith.constant 0 : i32
    %dma_start3A_122 = tpu.memref_slice %arg7[%dma_start3A_120, %dma_start3A_121] : memref<128x512xf32, #tpu.memory_space<vmem>> -> memref<32x512xf32, #tpu.memory_space<vmem>>
    %dma_start3A_123 = arith.constant 64 : i32
    %dma_start3A_124 = tpu.memref_slice %arg6[%dma_start3A_118, %dma_start3A_123] : memref<2x128xi32, #tpu.memory_space<vmem>> -> memref<1x32xi32, #tpu.memory_space<vmem>>
    %dma_start3A_125 = tpu.memref_squeeze %dma_start3A_124 : memref<1x32xi32, #tpu.memory_space<vmem>> -> memref<32xi32, #tpu.memory_space<vmem>>
    %dma_start3A_126 = arith.constant 0 : i32
    %dma_start3A_127 = arith.constant 0 : i32
    %dma_start3A_128 = tpu.memref_slice %arg2[%dma_start3A_126, %dma_start3A_127] : memref<100000x512xf32, #tpu.memory_space<hbm>> -> memref<100000x512xf32, #tpu.memory_space<hbm>>
    %dma_start3A_129 = tpu.memref_slice %arg9[%dma_start3A_119] : memref<4x!tpu.dma_semaphore, #tpu.memory_space<semaphore_mem>> -> memref<1x!tpu.dma_semaphore, #tpu.memory_space<semaphore_mem>>
    %dma_start3A_130 = tpu.memref_squeeze %dma_start3A_129 : memref<1x!tpu.dma_semaphore, #tpu.memory_space<semaphore_mem>> -> memref<!tpu.dma_semaphore, #tpu.memory_space<semaphore_mem>>
    tpu.enqueue_indirect_dma source(%dma_start3A_122 : memref<32x512xf32, #tpu.memory_space<vmem>>) target(%dma_start3A_128 : memref<100000x512xf32, #tpu.memory_space<hbm>>) offsets(%dma_start3A_125 : memref<32xi32, #tpu.memory_space<vmem>>) semaphore(%dma_start3A_130 : memref<!tpu.dma_semaphore, #tpu.memory_space<semaphore_mem>>)
    %dma_wait3A_131 = arith.constant 1 : i32
    %dma_wait3A_132 = arith.constant 3 : i32
    %dma_wait3A_133 = arith.constant 96 : i32
    %dma_wait3A_134 = arith.constant 0 : i32
    %dma_wait3A_135 = tpu.memref_slice %arg7[%dma_wait3A_133, %dma_wait3A_134] : memref<128x512xf32, #tpu.memory_space<vmem>> -> memref<32x512xf32, #tpu.memory_space<vmem>>
    %dma_wait3A_136 = arith.constant 96 : i32
    %dma_wait3A_137 = tpu.memref_slice %arg6[%dma_wait3A_131, %dma_wait3A_136] : memref<2x128xi32, #tpu.memory_space<vmem>> -> memref<1x32xi32, #tpu.memory_space<vmem>>
    %dma_wait3A_138 = tpu.memref_squeeze %dma_wait3A_137 : memref<1x32xi32, #tpu.memory_space<vmem>> -> memref<32xi32, #tpu.memory_space<vmem>>
    %dma_wait3A_139 = arith.constant 0 : i32
    %dma_wait3A_140 = arith.constant 0 : i32
    %dma_wait3A_141 = tpu.memref_slice %arg3[%dma_wait3A_139, %dma_wait3A_140] : memref<4096x512xf32, #tpu.memory_space<hbm>> -> memref<4096x512xf32, #tpu.memory_space<hbm>>
    %dma_wait3A_142 = tpu.memref_slice %arg8[%dma_wait3A_132] : memref<4x!tpu.dma_semaphore, #tpu.memory_space<semaphore_mem>> -> memref<1x!tpu.dma_semaphore, #tpu.memory_space<semaphore_mem>>
    %dma_wait3A_143 = tpu.memref_squeeze %dma_wait3A_142 : memref<1x!tpu.dma_semaphore, #tpu.memory_space<semaphore_mem>> -> memref<!tpu.dma_semaphore, #tpu.memory_space<semaphore_mem>>
    tpu.wait_indirect_dma semaphore(%dma_wait3A_143 : memref<!tpu.dma_semaphore, #tpu.memory_space<semaphore_mem>>) src(%dma_wait3A_141 : memref<4096x512xf32, #tpu.memory_space<hbm>>) dst(%dma_wait3A_135 : memref<32x512xf32, #tpu.memory_space<vmem>>)
    %dma_start3A_144 = arith.constant 0 : i32
    %dma_start3A_145 = arith.constant 3 : i32
    %dma_start3A_146 = arith.constant 96 : i32
    %dma_start3A_147 = arith.constant 0 : i32
    %dma_start3A_148 = tpu.memref_slice %arg7[%dma_start3A_146, %dma_start3A_147] : memref<128x512xf32, #tpu.memory_space<vmem>> -> memref<32x512xf32, #tpu.memory_space<vmem>>
    %dma_start3A_149 = arith.constant 96 : i32
    %dma_start3A_150 = tpu.memref_slice %arg6[%dma_start3A_144, %dma_start3A_149] : memref<2x128xi32, #tpu.memory_space<vmem>> -> memref<1x32xi32, #tpu.memory_space<vmem>>
    %dma_start3A_151 = tpu.memref_squeeze %dma_start3A_150 : memref<1x32xi32, #tpu.memory_space<vmem>> -> memref<32xi32, #tpu.memory_space<vmem>>
    %dma_start3A_152 = arith.constant 0 : i32
    %dma_start3A_153 = arith.constant 0 : i32
    %dma_start3A_154 = tpu.memref_slice %arg2[%dma_start3A_152, %dma_start3A_153] : memref<100000x512xf32, #tpu.memory_space<hbm>> -> memref<100000x512xf32, #tpu.memory_space<hbm>>
    %dma_start3A_155 = tpu.memref_slice %arg9[%dma_start3A_145] : memref<4x!tpu.dma_semaphore, #tpu.memory_space<semaphore_mem>> -> memref<1x!tpu.dma_semaphore, #tpu.memory_space<semaphore_mem>>
    %dma_start3A_156 = tpu.memref_squeeze %dma_start3A_155 : memref<1x!tpu.dma_semaphore, #tpu.memory_space<semaphore_mem>> -> memref<!tpu.dma_semaphore, #tpu.memory_space<semaphore_mem>>
    tpu.enqueue_indirect_dma source(%dma_start3A_148 : memref<32x512xf32, #tpu.memory_space<vmem>>) target(%dma_start3A_154 : memref<100000x512xf32, #tpu.memory_space<hbm>>) offsets(%dma_start3A_151 : memref<32xi32, #tpu.memory_space<vmem>>) semaphore(%dma_start3A_156 : memref<!tpu.dma_semaphore, #tpu.memory_space<semaphore_mem>>)
    %dma_wait3A_157 = arith.constant 0 : i32
    %dma_wait3A_158 = arith.constant 0 : i32
    %dma_wait3A_159 = arith.constant 0 : i32
    %dma_wait3A_160 = arith.constant 0 : i32
    %dma_wait3A_161 = tpu.memref_slice %arg7[%dma_wait3A_159, %dma_wait3A_160] : memref<128x512xf32, #tpu.memory_space<vmem>> -> memref<32x512xf32, #tpu.memory_space<vmem>>
    %dma_wait3A_162 = arith.constant 0 : i32
    %dma_wait3A_163 = tpu.memref_slice %arg6[%dma_wait3A_157, %dma_wait3A_162] : memref<2x128xi32, #tpu.memory_space<vmem>> -> memref<1x32xi32, #tpu.memory_space<vmem>>
    %dma_wait3A_164 = tpu.memref_squeeze %dma_wait3A_163 : memref<1x32xi32, #tpu.memory_space<vmem>> -> memref<32xi32, #tpu.memory_space<vmem>>
    %dma_wait3A_165 = arith.constant 0 : i32
    %dma_wait3A_166 = arith.constant 0 : i32
    %dma_wait3A_167 = tpu.memref_slice %arg2[%dma_wait3A_165, %dma_wait3A_166] : memref<100000x512xf32, #tpu.memory_space<hbm>> -> memref<100000x512xf32, #tpu.memory_space<hbm>>
    %dma_wait3A_168 = tpu.memref_slice %arg9[%dma_wait3A_158] : memref<4x!tpu.dma_semaphore, #tpu.memory_space<semaphore_mem>> -> memref<1x!tpu.dma_semaphore, #tpu.memory_space<semaphore_mem>>
    %dma_wait3A_169 = tpu.memref_squeeze %dma_wait3A_168 : memref<1x!tpu.dma_semaphore, #tpu.memory_space<semaphore_mem>> -> memref<!tpu.dma_semaphore, #tpu.memory_space<semaphore_mem>>
    tpu.wait_indirect_dma semaphore(%dma_wait3A_169 : memref<!tpu.dma_semaphore, #tpu.memory_space<semaphore_mem>>) src(%dma_wait3A_161 : memref<32x512xf32, #tpu.memory_space<vmem>>) dst(%dma_wait3A_167 : memref<100000x512xf32, #tpu.memory_space<hbm>>)
    %dma_wait3A_170 = arith.constant 0 : i32
    %dma_wait3A_171 = arith.constant 1 : i32
    %dma_wait3A_172 = arith.constant 32 : i32
    %dma_wait3A_173 = arith.constant 0 : i32
    %dma_wait3A_174 = tpu.memref_slice %arg7[%dma_wait3A_172, %dma_wait3A_173] : memref<128x512xf32, #tpu.memory_space<vmem>> -> memref<32x512xf32, #tpu.memory_space<vmem>>
    %dma_wait3A_175 = arith.constant 32 : i32
    %dma_wait3A_176 = tpu.memref_slice %arg6[%dma_wait3A_170, %dma_wait3A_175] : memref<2x128xi32, #tpu.memory_space<vmem>> -> memref<1x32xi32, #tpu.memory_space<vmem>>
    %dma_wait3A_177 = tpu.memref_squeeze %dma_wait3A_176 : memref<1x32xi32, #tpu.memory_space<vmem>> -> memref<32xi32, #tpu.memory_space<vmem>>
    %dma_wait3A_178 = arith.constant 0 : i32
    %dma_wait3A_179 = arith.constant 0 : i32
    %dma_wait3A_180 = tpu.memref_slice %arg2[%dma_wait3A_178, %dma_wait3A_179] : memref<100000x512xf32, #tpu.memory_space<hbm>> -> memref<100000x512xf32, #tpu.memory_space<hbm>>
    %dma_wait3A_181 = tpu.memref_slice %arg9[%dma_wait3A_171] : memref<4x!tpu.dma_semaphore, #tpu.memory_space<semaphore_mem>> -> memref<1x!tpu.dma_semaphore, #tpu.memory_space<semaphore_mem>>
    %dma_wait3A_182 = tpu.memref_squeeze %dma_wait3A_181 : memref<1x!tpu.dma_semaphore, #tpu.memory_space<semaphore_mem>> -> memref<!tpu.dma_semaphore, #tpu.memory_space<semaphore_mem>>
    tpu.wait_indirect_dma semaphore(%dma_wait3A_182 : memref<!tpu.dma_semaphore, #tpu.memory_space<semaphore_mem>>) src(%dma_wait3A_174 : memref<32x512xf32, #tpu.memory_space<vmem>>) dst(%dma_wait3A_180 : memref<100000x512xf32, #tpu.memory_space<hbm>>)
    %dma_wait3A_183 = arith.constant 0 : i32
    %dma_wait3A_184 = arith.constant 2 : i32
    %dma_wait3A_185 = arith.constant 64 : i32
    %dma_wait3A_186 = arith.constant 0 : i32
    %dma_wait3A_187 = tpu.memref_slice %arg7[%dma_wait3A_185, %dma_wait3A_186] : memref<128x512xf32, #tpu.memory_space<vmem>> -> memref<32x512xf32, #tpu.memory_space<vmem>>
    %dma_wait3A_188 = arith.constant 64 : i32
    %dma_wait3A_189 = tpu.memref_slice %arg6[%dma_wait3A_183, %dma_wait3A_188] : memref<2x128xi32, #tpu.memory_space<vmem>> -> memref<1x32xi32, #tpu.memory_space<vmem>>
    %dma_wait3A_190 = tpu.memref_squeeze %dma_wait3A_189 : memref<1x32xi32, #tpu.memory_space<vmem>> -> memref<32xi32, #tpu.memory_space<vmem>>
    %dma_wait3A_191 = arith.constant 0 : i32
    %dma_wait3A_192 = arith.constant 0 : i32
    %dma_wait3A_193 = tpu.memref_slice %arg2[%dma_wait3A_191, %dma_wait3A_192] : memref<100000x512xf32, #tpu.memory_space<hbm>> -> memref<100000x512xf32, #tpu.memory_space<hbm>>
    %dma_wait3A_194 = tpu.memref_slice %arg9[%dma_wait3A_184] : memref<4x!tpu.dma_semaphore, #tpu.memory_space<semaphore_mem>> -> memref<1x!tpu.dma_semaphore, #tpu.memory_space<semaphore_mem>>
    %dma_wait3A_195 = tpu.memref_squeeze %dma_wait3A_194 : memref<1x!tpu.dma_semaphore, #tpu.memory_space<semaphore_mem>> -> memref<!tpu.dma_semaphore, #tpu.memory_space<semaphore_mem>>
    tpu.wait_indirect_dma semaphore(%dma_wait3A_195 : memref<!tpu.dma_semaphore, #tpu.memory_space<semaphore_mem>>) src(%dma_wait3A_187 : memref<32x512xf32, #tpu.memory_space<vmem>>) dst(%dma_wait3A_193 : memref<100000x512xf32, #tpu.memory_space<hbm>>)
    %dma_wait3A_196 = arith.constant 0 : i32
    %dma_wait3A_197 = arith.constant 3 : i32
    %dma_wait3A_198 = arith.constant 96 : i32
    %dma_wait3A_199 = arith.constant 0 : i32
    %dma_wait3A_200 = tpu.memref_slice %arg7[%dma_wait3A_198, %dma_wait3A_199] : memref<128x512xf32, #tpu.memory_space<vmem>> -> memref<32x512xf32, #tpu.memory_space<vmem>>
    %dma_wait3A_201 = arith.constant 96 : i32
    %dma_wait3A_202 = tpu.memref_slice %arg6[%dma_wait3A_196, %dma_wait3A_201] : memref<2x128xi32, #tpu.memory_space<vmem>> -> memref<1x32xi32, #tpu.memory_space<vmem>>
    %dma_wait3A_203 = tpu.memref_squeeze %dma_wait3A_202 : memref<1x32xi32, #tpu.memory_space<vmem>> -> memref<32xi32, #tpu.memory_space<vmem>>
    %dma_wait3A_204 = arith.constant 0 : i32
    %dma_wait3A_205 = arith.constant 0 : i32
    %dma_wait3A_206 = tpu.memref_slice %arg2[%dma_wait3A_204, %dma_wait3A_205] : memref<100000x512xf32, #tpu.memory_space<hbm>> -> memref<100000x512xf32, #tpu.memory_space<hbm>>
    %dma_wait3A_207 = tpu.memref_slice %arg9[%dma_wait3A_197] : memref<4x!tpu.dma_semaphore, #tpu.memory_space<semaphore_mem>> -> memref<1x!tpu.dma_semaphore, #tpu.memory_space<semaphore_mem>>
    %dma_wait3A_208 = tpu.memref_squeeze %dma_wait3A_207 : memref<1x!tpu.dma_semaphore, #tpu.memory_space<semaphore_mem>> -> memref<!tpu.dma_semaphore, #tpu.memory_space<semaphore_mem>>
    tpu.wait_indirect_dma semaphore(%dma_wait3A_208 : memref<!tpu.dma_semaphore, #tpu.memory_space<semaphore_mem>>) src(%dma_wait3A_200 : memref<32x512xf32, #tpu.memory_space<vmem>>) dst(%dma_wait3A_206 : memref<100000x512xf32, #tpu.memory_space<hbm>>)
    return
  }
}

module attributes {stable_mosaic.version = 14 : i64} {
  func.func @_winner_body(%arg0: memref<1x4096xi32, #tpu.memory_space<vmem>>, %arg1: memref<4096x1xi32, #tpu.memory_space<vmem>>, %arg2: memref<2x4096xi32, #tpu.memory_space<vmem>>) attributes {dimension_semantics = [], scalar_prefetch = 0 : i64, scratch_operands = 0 : i64, tpu.core_type = #tpu.core_type<tc>} {
    %get3A = arith.constant 0 : index
    %get3A_0 = arith.constant 0 : index
    %get3A_1 = vector.load %arg0[%get3A, %get3A_0] : memref<1x4096xi32, #tpu.memory_space<vmem>>, vector<1x4096xi32>
    %get3A_2 = vector.shape_cast %get3A_1 : vector<1x4096xi32> to vector<4096xi32>
    %swap3A = arith.constant 0 : index
    %swap3A_3 = arith.constant 0 : index
    %swap3A_4 = vector.load %arg2[%swap3A, %swap3A_3] : memref<2x4096xi32, #tpu.memory_space<vmem>>, vector<1x4096xi32>
    %swap3A_5 = vector.shape_cast %swap3A_4 : vector<1x4096xi32> to vector<4096xi32>
    %swap3A_6 = vector.shape_cast %get3A_2 : vector<4096xi32> to vector<1x4096xi32>
    tpu.vector_store %arg2[%swap3A, %swap3A_3], %swap3A_6 {strides = array<i32>} : memref<2x4096xi32, #tpu.memory_space<vmem>>, vector<1x4096xi32>,
    %get3A_7 = arith.constant 0 : index
    %get3A_8 = arith.constant 0 : index
    %get3A_9 = vector.load %arg1[%get3A_7, %get3A_8] : memref<4096x1xi32, #tpu.memory_space<vmem>>, vector<512x1xi32>
    %get3A_10 = arith.constant 0 : index
    %get3A_11 = arith.constant 0 : index
    %get3A_12 = vector.load %arg0[%get3A_10, %get3A_11] : memref<1x4096xi32, #tpu.memory_space<vmem>>, vector<1x4096xi32>
    %eq3A = vector.broadcast %get3A_9 : vector<512x1xi32> to vector<512x4096xi32>
    %eq3A_13 = vector.broadcast %get3A_12 : vector<1x4096xi32> to vector<512x4096xi32>
    %eq3A_14 = arith.cmpi eq, %eq3A, %eq3A_13 : vector<512x4096xi32>
    %iota3A = tpu.iota {dimensions = array<i32: 1>} : vector<512x4096xi32>
    %add3A = arith.constant 0 : i32
    %add3A_15 = vector.broadcast %add3A : i32 to vector<512x4096xi32>
    %add3A_16 = arith.addi %add3A_15, %iota3A : vector<512x4096xi32>
    %jit3A = arith.constant -1 : i32
    %broadcast_in_dim3A = vector.broadcast %jit3A : i32 to vector<512x4096xi32>
    %select_n3A = arith.select %eq3A_14, %add3A_16, %broadcast_in_dim3A : vector<512x4096xi1>, vector<512x4096xi32>
    %reduce_max3A = arith.constant dense<-2147483648> : vector<512xi32>
    %reduce_max3A_17 = vector.multi_reduction <maxsi>, %select_n3A, %reduce_max3A [1] : vector<512x4096xi32> to vector<512xi32>
    %swap3A_18 = arith.constant 1 : index
    %swap3A_19 = arith.constant 0 : index
    %swap3A_20 = vector.load %arg2[%swap3A_18, %swap3A_19] : memref<2x4096xi32, #tpu.memory_space<vmem>>, vector<1x512xi32>
    %swap3A_21 = vector.shape_cast %swap3A_20 : vector<1x512xi32> to vector<512xi32>
    %swap3A_22 = vector.shape_cast %reduce_max3A_17 : vector<512xi32> to vector<1x512xi32>
    tpu.vector_store %arg2[%swap3A_18, %swap3A_19], %swap3A_22 {strides = array<i32>} : memref<2x4096xi32, #tpu.memory_space<vmem>>, vector<1x512xi32>,
    %get3A_23 = arith.constant 512 : index
    %get3A_24 = arith.constant 0 : index
    %get3A_25 = vector.load %arg1[%get3A_23, %get3A_24] : memref<4096x1xi32, #tpu.memory_space<vmem>>, vector<512x1xi32>
    %get3A_26 = arith.constant 0 : index
    %get3A_27 = arith.constant 512 : index
    %get3A_28 = vector.load %arg0[%get3A_26, %get3A_27] : memref<1x4096xi32, #tpu.memory_space<vmem>>, vector<1x3584xi32>
    %eq3A_29 = vector.broadcast %get3A_25 : vector<512x1xi32> to vector<512x3584xi32>
    %eq3A_30 = vector.broadcast %get3A_28 : vector<1x3584xi32> to vector<512x3584xi32>
    %eq3A_31 = arith.cmpi eq, %eq3A_29, %eq3A_30 : vector<512x3584xi32>
    %iota3A_32 = tpu.iota {dimensions = array<i32: 1>} : vector<512x3584xi32>
    %add3A_33 = arith.constant 512 : i32
    %add3A_34 = vector.broadcast %add3A_33 : i32 to vector<512x3584xi32>
    %add3A_35 = arith.addi %add3A_34, %iota3A_32 : vector<512x3584xi32>
    %jit3A_36 = arith.constant -1 : i32
    %broadcast_in_dim3A_37 = vector.broadcast %jit3A_36 : i32 to vector<512x3584xi32>
    %select_n3A_38 = arith.select %eq3A_31, %add3A_35, %broadcast_in_dim3A_37 : vector<512x3584xi1>, vector<512x3584xi32>
    %reduce_max3A_39 = arith.constant dense<-2147483648> : vector<512xi32>
    %reduce_max3A_40 = vector.multi_reduction <maxsi>, %select_n3A_38, %reduce_max3A_39 [1] : vector<512x3584xi32> to vector<512xi32>
    %swap3A_41 = arith.constant 1 : index
    %swap3A_42 = arith.constant 512 : index
    %swap3A_43 = vector.load %arg2[%swap3A_41, %swap3A_42] : memref<2x4096xi32, #tpu.memory_space<vmem>>, vector<1x512xi32>
    %swap3A_44 = vector.shape_cast %swap3A_43 : vector<1x512xi32> to vector<512xi32>
    %swap3A_45 = vector.shape_cast %reduce_max3A_40 : vector<512xi32> to vector<1x512xi32>
    tpu.vector_store %arg2[%swap3A_41, %swap3A_42], %swap3A_45 {strides = array<i32>} : memref<2x4096xi32, #tpu.memory_space<vmem>>, vector<1x512xi32>,
    %get3A_46 = arith.constant 1024 : index
    %get3A_47 = arith.constant 0 : index
    %get3A_48 = vector.load %arg1[%get3A_46, %get3A_47] : memref<4096x1xi32, #tpu.memory_space<vmem>>, vector<512x1xi32>
    %get3A_49 = arith.constant 0 : index
    %get3A_50 = arith.constant 1024 : index
    %get3A_51 = vector.load %arg0[%get3A_49, %get3A_50] : memref<1x4096xi32, #tpu.memory_space<vmem>>, vector<1x3072xi32>
    %eq3A_52 = vector.broadcast %get3A_48 : vector<512x1xi32> to vector<512x3072xi32>
    %eq3A_53 = vector.broadcast %get3A_51 : vector<1x3072xi32> to vector<512x3072xi32>
    %eq3A_54 = arith.cmpi eq, %eq3A_52, %eq3A_53 : vector<512x3072xi32>
    %iota3A_55 = tpu.iota {dimensions = array<i32: 1>} : vector<512x3072xi32>
    %add3A_56 = arith.constant 1024 : i32
    %add3A_57 = vector.broadcast %add3A_56 : i32 to vector<512x3072xi32>
    %add3A_58 = arith.addi %add3A_57, %iota3A_55 : vector<512x3072xi32>
    %jit3A_59 = arith.constant -1 : i32
    %broadcast_in_dim3A_60 = vector.broadcast %jit3A_59 : i32 to vector<512x3072xi32>
    %select_n3A_61 = arith.select %eq3A_54, %add3A_58, %broadcast_in_dim3A_60 : vector<512x3072xi1>, vector<512x3072xi32>
    %reduce_max3A_62 = arith.constant dense<-2147483648> : vector<512xi32>
    %reduce_max3A_63 = vector.multi_reduction <maxsi>, %select_n3A_61, %reduce_max3A_62 [1] : vector<512x3072xi32> to vector<512xi32>
    %swap3A_64 = arith.constant 1 : index
    %swap3A_65 = arith.constant 1024 : index
    %swap3A_66 = vector.load %arg2[%swap3A_64, %swap3A_65] : memref<2x4096xi32, #tpu.memory_space<vmem>>, vector<1x512xi32>
    %swap3A_67 = vector.shape_cast %swap3A_66 : vector<1x512xi32> to vector<512xi32>
    %swap3A_68 = vector.shape_cast %reduce_max3A_63 : vector<512xi32> to vector<1x512xi32>
    tpu.vector_store %arg2[%swap3A_64, %swap3A_65], %swap3A_68 {strides = array<i32>} : memref<2x4096xi32, #tpu.memory_space<vmem>>, vector<1x512xi32>,
    %get3A_69 = arith.constant 1536 : index
    %get3A_70 = arith.constant 0 : index
    %get3A_71 = vector.load %arg1[%get3A_69, %get3A_70] : memref<4096x1xi32, #tpu.memory_space<vmem>>, vector<512x1xi32>
    %get3A_72 = arith.constant 0 : index
    %get3A_73 = arith.constant 1536 : index
    %get3A_74 = vector.load %arg0[%get3A_72, %get3A_73] : memref<1x4096xi32, #tpu.memory_space<vmem>>, vector<1x2560xi32>
    %eq3A_75 = vector.broadcast %get3A_71 : vector<512x1xi32> to vector<512x2560xi32>
    %eq3A_76 = vector.broadcast %get3A_74 : vector<1x2560xi32> to vector<512x2560xi32>
    %eq3A_77 = arith.cmpi eq, %eq3A_75, %eq3A_76 : vector<512x2560xi32>
    %iota3A_78 = tpu.iota {dimensions = array<i32: 1>} : vector<512x2560xi32>
    %add3A_79 = arith.constant 1536 : i32
    %add3A_80 = vector.broadcast %add3A_79 : i32 to vector<512x2560xi32>
    %add3A_81 = arith.addi %add3A_80, %iota3A_78 : vector<512x2560xi32>
    %jit3A_82 = arith.constant -1 : i32
    %broadcast_in_dim3A_83 = vector.broadcast %jit3A_82 : i32 to vector<512x2560xi32>
    %select_n3A_84 = arith.select %eq3A_77, %add3A_81, %broadcast_in_dim3A_83 : vector<512x2560xi1>, vector<512x2560xi32>
    %reduce_max3A_85 = arith.constant dense<-2147483648> : vector<512xi32>
    %reduce_max3A_86 = vector.multi_reduction <maxsi>, %select_n3A_84, %reduce_max3A_85 [1] : vector<512x2560xi32> to vector<512xi32>
    %swap3A_87 = arith.constant 1 : index
    %swap3A_88 = arith.constant 1536 : index
    %swap3A_89 = vector.load %arg2[%swap3A_87, %swap3A_88] : memref<2x4096xi32, #tpu.memory_space<vmem>>, vector<1x512xi32>
    %swap3A_90 = vector.shape_cast %swap3A_89 : vector<1x512xi32> to vector<512xi32>
    %swap3A_91 = vector.shape_cast %reduce_max3A_86 : vector<512xi32> to vector<1x512xi32>
    tpu.vector_store %arg2[%swap3A_87, %swap3A_88], %swap3A_91 {strides = array<i32>} : memref<2x4096xi32, #tpu.memory_space<vmem>>, vector<1x512xi32>,
    %get3A_92 = arith.constant 2048 : index
    %get3A_93 = arith.constant 0 : index
    %get3A_94 = vector.load %arg1[%get3A_92, %get3A_93] : memref<4096x1xi32, #tpu.memory_space<vmem>>, vector<512x1xi32>
    %get3A_95 = arith.constant 0 : index
    %get3A_96 = arith.constant 2048 : index
    %get3A_97 = vector.load %arg0[%get3A_95, %get3A_96] : memref<1x4096xi32, #tpu.memory_space<vmem>>, vector<1x2048xi32>
    %eq3A_98 = vector.broadcast %get3A_94 : vector<512x1xi32> to vector<512x2048xi32>
    %eq3A_99 = vector.broadcast %get3A_97 : vector<1x2048xi32> to vector<512x2048xi32>
    %eq3A_100 = arith.cmpi eq, %eq3A_98, %eq3A_99 : vector<512x2048xi32>
    %iota3A_101 = tpu.iota {dimensions = array<i32: 1>} : vector<512x2048xi32>
    %add3A_102 = arith.constant 2048 : i32
    %add3A_103 = vector.broadcast %add3A_102 : i32 to vector<512x2048xi32>
    %add3A_104 = arith.addi %add3A_103, %iota3A_101 : vector<512x2048xi32>
    %jit3A_105 = arith.constant -1 : i32
    %broadcast_in_dim3A_106 = vector.broadcast %jit3A_105 : i32 to vector<512x2048xi32>
    %select_n3A_107 = arith.select %eq3A_100, %add3A_104, %broadcast_in_dim3A_106 : vector<512x2048xi1>, vector<512x2048xi32>
    %reduce_max3A_108 = arith.constant dense<-2147483648> : vector<512xi32>
    %reduce_max3A_109 = vector.multi_reduction <maxsi>, %select_n3A_107, %reduce_max3A_108 [1] : vector<512x2048xi32> to vector<512xi32>
    %swap3A_110 = arith.constant 1 : index
    %swap3A_111 = arith.constant 2048 : index
    %swap3A_112 = vector.load %arg2[%swap3A_110, %swap3A_111] : memref<2x4096xi32, #tpu.memory_space<vmem>>, vector<1x512xi32>
    %swap3A_113 = vector.shape_cast %swap3A_112 : vector<1x512xi32> to vector<512xi32>
    %swap3A_114 = vector.shape_cast %reduce_max3A_109 : vector<512xi32> to vector<1x512xi32>
    tpu.vector_store %arg2[%swap3A_110, %swap3A_111], %swap3A_114 {strides = array<i32>} : memref<2x4096xi32, #tpu.memory_space<vmem>>, vector<1x512xi32>,
    %get3A_115 = arith.constant 2560 : index
    %get3A_116 = arith.constant 0 : index
    %get3A_117 = vector.load %arg1[%get3A_115, %get3A_116] : memref<4096x1xi32, #tpu.memory_space<vmem>>, vector<512x1xi32>
    %get3A_118 = arith.constant 0 : index
    %get3A_119 = arith.constant 2560 : index
    %get3A_120 = vector.load %arg0[%get3A_118, %get3A_119] : memref<1x4096xi32, #tpu.memory_space<vmem>>, vector<1x1536xi32>
    %eq3A_121 = vector.broadcast %get3A_117 : vector<512x1xi32> to vector<512x1536xi32>
    %eq3A_122 = vector.broadcast %get3A_120 : vector<1x1536xi32> to vector<512x1536xi32>
    %eq3A_123 = arith.cmpi eq, %eq3A_121, %eq3A_122 : vector<512x1536xi32>
    %iota3A_124 = tpu.iota {dimensions = array<i32: 1>} : vector<512x1536xi32>
    %add3A_125 = arith.constant 2560 : i32
    %add3A_126 = vector.broadcast %add3A_125 : i32 to vector<512x1536xi32>
    %add3A_127 = arith.addi %add3A_126, %iota3A_124 : vector<512x1536xi32>
    %jit3A_128 = arith.constant -1 : i32
    %broadcast_in_dim3A_129 = vector.broadcast %jit3A_128 : i32 to vector<512x1536xi32>
    %select_n3A_130 = arith.select %eq3A_123, %add3A_127, %broadcast_in_dim3A_129 : vector<512x1536xi1>, vector<512x1536xi32>
    %reduce_max3A_131 = arith.constant dense<-2147483648> : vector<512xi32>
    %reduce_max3A_132 = vector.multi_reduction <maxsi>, %select_n3A_130, %reduce_max3A_131 [1] : vector<512x1536xi32> to vector<512xi32>
    %swap3A_133 = arith.constant 1 : index
    %swap3A_134 = arith.constant 2560 : index
    %swap3A_135 = vector.load %arg2[%swap3A_133, %swap3A_134] : memref<2x4096xi32, #tpu.memory_space<vmem>>, vector<1x512xi32>
    %swap3A_136 = vector.shape_cast %swap3A_135 : vector<1x512xi32> to vector<512xi32>
    %swap3A_137 = vector.shape_cast %reduce_max3A_132 : vector<512xi32> to vector<1x512xi32>
    tpu.vector_store %arg2[%swap3A_133, %swap3A_134], %swap3A_137 {strides = array<i32>} : memref<2x4096xi32, #tpu.memory_space<vmem>>, vector<1x512xi32>,
    %get3A_138 = arith.constant 3072 : index
    %get3A_139 = arith.constant 0 : index
    %get3A_140 = vector.load %arg1[%get3A_138, %get3A_139] : memref<4096x1xi32, #tpu.memory_space<vmem>>, vector<512x1xi32>
    %get3A_141 = arith.constant 0 : index
    %get3A_142 = arith.constant 3072 : index
    %get3A_143 = vector.load %arg0[%get3A_141, %get3A_142] : memref<1x4096xi32, #tpu.memory_space<vmem>>, vector<1x1024xi32>
    %eq3A_144 = vector.broadcast %get3A_140 : vector<512x1xi32> to vector<512x1024xi32>
    %eq3A_145 = vector.broadcast %get3A_143 : vector<1x1024xi32> to vector<512x1024xi32>
    %eq3A_146 = arith.cmpi eq, %eq3A_144, %eq3A_145 : vector<512x1024xi32>
    %iota3A_147 = tpu.iota {dimensions = array<i32: 1>} : vector<512x1024xi32>
    %add3A_148 = arith.constant 3072 : i32
    %add3A_149 = vector.broadcast %add3A_148 : i32 to vector<512x1024xi32>
    %add3A_150 = arith.addi %add3A_149, %iota3A_147 : vector<512x1024xi32>
    %jit3A_151 = arith.constant -1 : i32
    %broadcast_in_dim3A_152 = vector.broadcast %jit3A_151 : i32 to vector<512x1024xi32>
    %select_n3A_153 = arith.select %eq3A_146, %add3A_150, %broadcast_in_dim3A_152 : vector<512x1024xi1>, vector<512x1024xi32>
    %reduce_max3A_154 = arith.constant dense<-2147483648> : vector<512xi32>
    %reduce_max3A_155 = vector.multi_reduction <maxsi>, %select_n3A_153, %reduce_max3A_154 [1] : vector<512x1024xi32> to vector<512xi32>
    %swap3A_156 = arith.constant 1 : index
    %swap3A_157 = arith.constant 3072 : index
    %swap3A_158 = vector.load %arg2[%swap3A_156, %swap3A_157] : memref<2x4096xi32, #tpu.memory_space<vmem>>, vector<1x512xi32>
    %swap3A_159 = vector.shape_cast %swap3A_158 : vector<1x512xi32> to vector<512xi32>
    %swap3A_160 = vector.shape_cast %reduce_max3A_155 : vector<512xi32> to vector<1x512xi32>
    tpu.vector_store %arg2[%swap3A_156, %swap3A_157], %swap3A_160 {strides = array<i32>} : memref<2x4096xi32, #tpu.memory_space<vmem>>, vector<1x512xi32>,
    %get3A_161 = arith.constant 3584 : index
    %get3A_162 = arith.constant 0 : index
    %get3A_163 = vector.load %arg1[%get3A_161, %get3A_162] : memref<4096x1xi32, #tpu.memory_space<vmem>>, vector<512x1xi32>
    %get3A_164 = arith.constant 0 : index
    %get3A_165 = arith.constant 3584 : index
    %get3A_166 = vector.load %arg0[%get3A_164, %get3A_165] : memref<1x4096xi32, #tpu.memory_space<vmem>>, vector<1x512xi32>
    %eq3A_167 = vector.broadcast %get3A_163 : vector<512x1xi32> to vector<512x512xi32>
    %eq3A_168 = vector.broadcast %get3A_166 : vector<1x512xi32> to vector<512x512xi32>
    %eq3A_169 = arith.cmpi eq, %eq3A_167, %eq3A_168 : vector<512x512xi32>
    %iota3A_170 = tpu.iota {dimensions = array<i32: 1>} : vector<512x512xi32>
    %add3A_171 = arith.constant 3584 : i32
    %add3A_172 = vector.broadcast %add3A_171 : i32 to vector<512x512xi32>
    %add3A_173 = arith.addi %add3A_172, %iota3A_170 : vector<512x512xi32>
    %jit3A_174 = arith.constant -1 : i32
    %broadcast_in_dim3A_175 = vector.broadcast %jit3A_174 : i32 to vector<512x512xi32>
    %select_n3A_176 = arith.select %eq3A_169, %add3A_173, %broadcast_in_dim3A_175 : vector<512x512xi1>, vector<512x512xi32>
    %reduce_max3A_177 = arith.constant dense<-2147483648> : vector<512xi32>
    %reduce_max3A_178 = vector.multi_reduction <maxsi>, %select_n3A_176, %reduce_max3A_177 [1] : vector<512x512xi32> to vector<512xi32>
    %swap3A_179 = arith.constant 1 : index
    %swap3A_180 = arith.constant 3584 : index
    %swap3A_181 = vector.load %arg2[%swap3A_179, %swap3A_180] : memref<2x4096xi32, #tpu.memory_space<vmem>>, vector<1x512xi32>
    %swap3A_182 = vector.shape_cast %swap3A_181 : vector<1x512xi32> to vector<512xi32>
    %swap3A_183 = vector.shape_cast %reduce_max3A_178 : vector<512xi32> to vector<1x512xi32>
    tpu.vector_store %arg2[%swap3A_179, %swap3A_180], %swap3A_183 {strides = array<i32>} : memref<2x4096xi32, #tpu.memory_space<vmem>>, vector<1x512xi32>,
    return
  }
}

</mosaic_0001>

<sc_bundles>
// kernel: kernel.5.cloned.1.call-start
scs
__scs_entry_jumppad:
0x0: {  	(pc) =	sbr.rel $0x88, $3  }
0x1: {  	(tag) =	ssettag $0x0;
	lr =	simm.s32 $0x1  }
0x2: {  	[smem:$0x3F9D] =	sst lr;
	_ =	strace $0xD0000000  }
0x3: {  	_ = 	snop  }
0x4: {  	_ = 	snop  }
0x5: {  	_ = 	snop  }
0x6: {  	_ = 	snop  }
0x7: {  	_ = 	snop  }
__scs_overlays_trampoline_lowered:
0x8: {  	[smem:$0x3FAC] =	sst s0  }
0x9: {  	[smem:$0x3FAD] =	sst s1  }
0xa: {  	[smem:$0x3FAE] =	sst s2  }
0xb: {  	[smem:$0x3FAF] =	sst s3  }
0xc: {  	[smem:$0x3FB0] =	sst s4  }
0xd: {  	[smem:$0x3FB1] =	sst s5  }
0xe: {  	[smem:$0x3FB2] =	sst s6  }
0xf: {  	[smem:$0x3FB3] =	sst s7  }
0x10: {  	[smem:$0x3FB4] =	sst s8  }
0x11: {  	[smem:$0x3FB5] =	sst s9;
	s0 =	simm.s32 @!p0 $0x0  }
0x12: {  	s1 =	sld [smem:$0x3F9B];
	s0 =	simm.s32 @p0 $0x1  }
0x13: {  	[smem:$0x3FB6] =	sst s0;
	s0 =	simm.s32 @!p1 $0x0  }
0x14: {  	s2 =	sld [smem:$0x3F9A];
	s0 =	simm.s32 @p1 $0x1  }
0x15: {  	[smem:$0x3FB7] =	sst s0;
	s0 =	simm.s32 @!p2 $0x0  }
0x16: {  	s3 =	sld [smem:$0x3FDB];
	s0 =	simm.s32 @p2 $0x1  }
0x17: {  	s4 =	simm.s32 $0x1BF5;
	[smem:$0x3FB9] =	sst s0  }
0x18: {  	s0 =	sld [smem:$0x3F9C];
	_ =	swait.ge [sflag:s4], $0x0  }
0x19: {  	s7 =	sld [smem:$0x3F9D]  }
0x1a: {  	s8 =	sadd.s32 $0xFFFFE003, lr  }
0x1b: {  	s9 =	sadd.s32 $0xFFFFFEF7, lr;
	s5 =	simm.s32 $0xFFFFFFFF;
	p2 =	slt.u32 s8, $0xFFFFF086  }
0x1c: {  	p1 =	slt.u32 s9, $0xF7A;
	s5 =	simm.s32 @!p2 $0x0  }
0x1d: {  	s5 =	simm.s32 @p1 $0x1;
	p0 =	seq.s32 s7, s2  }
0x1e: {  	s7 =	smul.u32 @!p0 $0xF7A, s2;
	p2 =	seq.s32 @!p0 s5, $0x0  }
0x1f: {  	s9 =	smul.u32 $0xF7A, s1;
	s8 =	simm.s32 @!p0 $0x1BF5;
	p2 =	por !p2, p0  }
0x20: {  	[sflag:s8] =	ssyncset.s32 @!p0 $0xFFFFF086;
	s6 =	sadd.s32 @!p0 s3, s7;
	s7 =	simm.s32 @!p0 $0x108  }
0x21: {  	s3 =	sadd.s32 s3, s9;
	s6 =	sadd.s32 @!p0 $0x88, s6;
	s7 =	simm.s32 @p2 $0x1082  }
0x22: {  	[simem:s7], [sflag:s8] =	dma.local @!p0 [hbm:s6], $0xF7A  }
0x23: {  	s9 =	sor.u32 $0xD0000000, s2;
	s6 =	simm.s32 $0x108;
	_ =	swait.ge @!p0 [sflag:s8], $0x0  }
0x24: {  	s3 =	sadd.s32 $0x88, s3;
	s6 =	simm.s32 @!p1 $0x1082;
	[sflag:s4] =	ssyncset.s32 $0xFFFFF086  }
0x25: {  	[simem:s6], [sflag:s4] =	dma.local [hbm:s3], $0xF7A  }
0x26: {  	[smem:$0x3F9D] =	sst s1;
	(tag) =	ssettag s2;
	_ =	strace s9  }
0x27: {  	s1 =	sld [smem:$0x3FAD]  }
0x28: {  	s2 =	sld [smem:$0x3FAE]  }
0x29: {  	s4 =	sld [smem:$0x3FB0]  }
0x2a: {  	p0 =	seq.s32 s5, $0x0;
	s5 =	sld [smem:$0x3FB1]  }
0x2b: {  	s6 =	sld [smem:$0x3FB2]  }
0x2c: {  	s7 =	sld [smem:$0x3FB3]  }
0x2d: {  	s3 =	simm.s32 $0x108;
	s8 =	sld [smem:$0x3FB4]  }
0x2e: {  	s3 =	simm.s32 @!p0 $0x1082;
	s9 =	sld [smem:$0x3FB5]  }
0x2f: {  	lr =	sadd.s32 s0, s3;
	s0 =	sld [smem:$0x3FAC]  }
0x30: {  	s3 =	sld [smem:$0x3FAF]  }
0x31: {  	[smem:$0x3FB8] =	sst s10  }
0x32: {  	s10 =	sld [smem:$0x3FB6];
	_ =	sdelay $0x3  }
0x33: {  	p0 =	seq.s32 s10, $0x1;
	s10 =	sld [smem:$0x3FB8];
	_ =	sdelay $0x3  }
0x34: {  	[smem:$0x3FB8] =	sst s10  }
0x35: {  	s10 =	sld [smem:$0x3FB7];
	_ =	sdelay $0x3  }
0x36: {  	p1 =	seq.s32 s10, $0x1;
	s10 =	sld [smem:$0x3FB8];
	_ =	sdelay $0x3  }
0x37: {  	[smem:$0x3FB8] =	sst s10  }
0x38: {  	s10 =	sld [smem:$0x3FB9]  }
0x39: {  	_ = 	snop;
	(pc) =	sbr.ind lr, $3  }
0x3a: {  	_ = 	snop  }
0x3b: {  	_ = 	snop  }
0x3c: {  	p2 =	seq.s32 s10, $0x1;
	s10 =	sld [smem:$0x3FB8]  }
0x3d: {  	_ =	shalt  }
0x3e: {  	_ =	shalt  }
0x3f: {  	_ =	shalt  }
0x40: {  	_ =	shalt  }
0x41: {  	_ =	shalt  }
0x42: {  	_ =	shalt  }
0x43: {  	_ =	shalt  }
0x44: {  	_ =	shalt  }
0x45: {  	_ =	shalt  }
0x46: {  	_ =	shalt  }
0x47: {  	_ =	shalt  }
0x48: {  	_ =	shalt  }
0x49: {  	_ =	shalt  }
0x4a: {  	_ =	shalt  }
0x4b: {  	_ =	shalt  }
0x4c: {  	_ =	shalt  }
0x4d: {  	_ =	shalt  }
0x4e: {  	_ =	shalt  }
0x4f: {  	_ =	shalt  }
0x50: {  	_ =	shalt  }
0x51: {  	_ =	shalt  }
0x52: {  	_ =	shalt  }
0x53: {  	_ =	shalt  }
0x54: {  	_ =	shalt  }
0x55: {  	_ =	shalt  }
0x56: {  	_ =	shalt  }
0x57: {  	_ =	shalt  }
0x58: {  	_ =	shalt  }
0x59: {  	_ =	shalt  }
0x5a: {  	_ =	shalt  }
0x5b: {  	_ =	shalt  }
0x5c: {  	_ =	shalt  }
0x5d: {  	_ =	shalt  }
0x5e: {  	_ =	shalt  }
0x5f: {  	_ =	shalt  }
0x60: {  	_ =	shalt  }
0x61: {  	_ =	shalt  }
0x62: {  	_ =	shalt  }
0x63: {  	_ =	shalt  }
0x64: {  	_ =	shalt  }
0x65: {  	_ =	shalt  }
0x66: {  	_ =	shalt  }
0x67: {  	_ =	shalt  }
0x68: {  	_ =	shalt  }
0x69: {  	_ =	shalt  }
0x6a: {  	_ =	shalt  }
0x6b: {  	_ =	shalt  }
0x6c: {  	_ =	shalt  }
0x6d: {  	_ =	shalt  }
0x6e: {  	_ =	shalt  }
0x6f: {  	_ =	shalt  }
0x70: {  	_ =	shalt  }
0x71: {  	_ =	shalt  }
0x72: {  	_ =	shalt  }
0x73: {  	_ =	shalt  }
0x74: {  	_ =	shalt  }
0x75: {  	_ =	shalt  }
0x76: {  	_ =	shalt  }
0x77: {  	_ =	shalt  }
0x78: {  	_ =	shalt  }
0x79: {  	_ =	shalt  }
0x7a: {  	_ =	shalt  }
0x7b: {  	_ =	shalt  }
0x7c: {  	_ =	shalt  }
0x7d: {  	_ =	shalt  }
0x7e: {  	_ =	shalt  }
0x7f: {  	_ =	shalt  }
0x80: {  	_ =	shalt  }
0x81: {  	_ =	shalt  }
0x82: {  	_ =	shalt  }
0x83: {  	_ =	shalt  }
0x84: {  	_ =	shalt  }
0x85: {  	_ =	shalt  }
0x86: {  	_ =	shalt  }
0x87: {  	_ =	shalt  }
.Lfunc_end0:
.L_simem_size_0:
called_computation_lowered:
.L_overlay_start_0:
0x88: {  	s2 =	sld [smem:$0x3FD9]  }
0x89: {  	s3 =	sld [smem:$0x3FFE];
	_ =	sdelay $0x1  }
0x8a: {  	s1 =	srdreg.scid  }
0x8b: {  	s0 =	sand.u32 $0x1, s1  }
0x8c: {  	s15 =	sshll.u32 s0, $0xA;
	s2 =	sadd.s32 s3, s2  }
0x8d: {  	s2 =	sadd.s32 s2, s15  }
0x8e: {  	[smem:$0x3FC4] =	sst s2  }
0x8f: {  	_ = 	snop  }
0x90: {  	s2 =	sld [smem:$0x3FD0];
	_ =	sdelay $0x2  }
0x91: {  	s4 =	simm.s32 $0xA;
	s5 =	simm.s32 $0x10;
	s16 =	sld [smem:$0x3FC8]  }
0x92: {  	[smem:s5], [sflag:s4] =	dma.local [hbm:s2], $0x1  }
0x93: {  	_ =	swait.eq [sflag:s4], $0x1  }
0x94: {  	[sflag:s4] =	ssyncset.done $0x0  }
0x95: {  	s17 =	sld [smem:$0x10];
	[sflag:s4] =	ssyncadd.s32 $0xFFFFFFFF  }
0x96: {  	s18 =	sld [smem:$0x11];
	(tm) =	ssettm $0x1  }
0x97: {  	s19 =	sld [smem:$0x3FFB];
	_ =	sdelay $0x3  }
0x98: {  	_ =	strace s19  }
0x99: {  	s5 =	sld [smem:$0x3FFC];
	_ =	sdelay $0x3  }
0x9a: {  	_ =	strace s5  }
0x9b: {  	s5 =	sld [smem:$0x3FFD];
	_ =	sdelay $0x3  }
0x9c: {  	_ =	strace s5  }
0x9d: {  	_ =	strace $0x8FFFFFFF  }
0x9e: {  	s20 =	sld [smem:$0x3FDB];
	_ =	sdelay $0x1  }
0x9f: {  	s6 =	simm.s32 $_scs_section_size  }
0xa0: {  	s7 =	simm.s32 $_size__tile_overlayer_lowered;
	s8 =	simm.s32 $_tile_overlayer_lowered  }
0xa1: {  	s23 =	simm.s32 $0x1BFF;
	s22 =	sshll.u32 s8, $0x1;
	s5 =	sadd.s32 s6, s20  }
0xa2: {  	s9 =	simm.s32 $0x0;
	s21 =	sshll.u32 s7, $0x1;
	s7 =	sadd.s32 s22, s5  }
0xa3: {  	[timem:s9], [sflag:s23] =	dma.local [hbm:s7], s21  }
0xa4: {  	_ =	swait.ge [sflag:s23], s21  }
0xa5: {  	s6 =	ssub.s32 $0x0, s21;
	[sflag:s23] =	ssyncset.done $0x0  }
0xa6: {  	[sflag:s23] =	ssyncadd.s32 s6;
	_ =	sdelay $0x1  }
0xa7: {  	s24 =	simm.s32 $0x1B8B  }
0xa8: {  	_ =	swait.ge [sflag:s24], $0x1  }
0xa9: {  	[sflag:s24] =	ssyncset.done $0x0  }
0xaa: {  	s25 =	simm.s32 $0x1B8E;
	[sflag:s24] =	ssyncadd.s32 $0xFFFFFFFF  }
0xab: {  	s26 =	simm.s32 $execute0_lowered;
	[smem:$0x3FD2] =	sst s25  }
0xac: {  	s6 =	sshll.u32 s26, $0x1;
	_ =	strace $0x80000046;
	[dreg:$0x1] =	wrdreg $0xFFFFFFFF  }
0xad: {  	s28 =	simm.s32 $_size_execute0_lowered;
	s5 =	sadd.s32 s5, s6;
	[dreg:$0x0] =	wrdreg $0x0  }
0xae: {  	s6 =	sshll.u32 s28, $0x1;
	[dreg:$0x2] =	wrdreg s5  }
0xaf: {  	[dreg:$0x3] =	wrdreg s6  }
0xb0: {  	[dreg:$0x4] =	wrdreg $0xC0  }
0xb1: {  	_ =	task [dreg:s9], $0x5FFFF  }
0xb2: {  	[dreg:$0x1] =	wrdreg $0xFFFFFFFF  }
0xb3: {  	[dreg:$0x0] =	wrdreg $0x60  }
0xb4: {  	[dreg:$0x2] =	wrdreg s18  }
0xb5: {  	[dreg:$0x3] =	wrdreg s16  }
0xb6: {  	[dreg:$0x4] =	wrdreg s17  }
0xb7: {  	[dreg:$0x5] =	wrdreg $0x9  }
0xb8: {  	_ =	task.clear_ibuf [dreg:s9], $0x6FFFF;
	_ =	strace $0x90000046  }
0xb9: {  	s29 =	simm.s32 $0x9;
	_ =	strace $0x80000048  }
0xba: {  	_ =	swait.ge [sflag:s29], $0x1  }
0xbb: {  	[sflag:s29] =	ssyncadd.s32 $0xFFFFFFFF  }
0xbc: {  	_ =	strace $0x90000048  }
0xbd: {  	_ =	sfence  }
0xbe: {  	s30 =	sld [smem:$0x0];
	_ =	sdelay $0x2  }
0xbf: {  	s31 =	sshll.u32 s1, $0xD;
	s1 =	sshrl.u32 s1, $0x2  }
0xc0: {  	s3 =	sand.u32 $0x4000, s31;
	s1 =	sadd.s32 s1, s30  }
0xc1: {  	s0 =	sor.u32 s3, s0;
	s1 =	sshll.u32 s1, $0x11  }
0xc2: {  	s0 =	sor.u32 s1, s0  }
0xc3: {  	s0 =	sadd.s32 $0x8F2B, s0  }
0xc4: {  	[sflag:s0] =	ssyncadd.remote.s32 $0x1  }
0xc5: {  	_ =	sfence.sel $0xFFFF  }
0xc6: {  	[dreg:$0x0] =	wrdreg $0xFFFFFFFF;
	(pc) =	sbr.abs _section_cstart, $3  }
0xc7: {  	[dreg:$0x1] =	wrdreg $0xFFFFFFFF  }
0xc8: {  	_ =	task.clear_ibuf [dreg:s9], $0x2FFFF;
	_ =	strace $0x9FFFFFFF  }
0xc9: {  	(tm) =	ssettm $0x7FFFFFFF  }
tec
execute0_lowered:
.L_overlay_start_1:
0x0: {  	(tag) =	ssettag $0x1  }
0x1: {  	s1 =	rddreg [dreg:$0x0]  }
0x2: {  	s2 =	rddreg [dreg:$0x1]  }
0x3: {  	s0 =	rddreg [dreg:$0x2];
	s4 =	simm.s32 $0x0  }
0x4: {  	s3 =	srdreg.scid;
	s7 =	stileid.u32;
	s28 =	simm.s32 $0x1100  }
0x5: {  	s29 =	simm.s32 $0x1900;
	s30 =	simm.s32 $0x2100;
	s31 =	simm.s32 $0x2900  }
0x6: {  	s8 =	simm.s32 $0x3100;
	s9 =	simm.s32 $0x4100;
	s10 =	simm.s32 $0x4900  }
0x7: {  	s11 =	simm.s32 $0x5100;
	s12 =	simm.s32 $0x5900;
	s13 =	simm.s32 $0x6100  }
0x8: {  	s14 =	simm.s32 $0x6900;
	s15 =	simm.s32 $0x7100;
	s16 =	simm.s32 $0x7900  }
0x9: {  	s24 =	simm.s32 $0x8100;
	s17 =	simm.s32 $0x8900;
	s18 =	simm.s32 $0x9100  }
0xa: {  	s19 =	simm.s32 $0x9900;
	s20 =	simm.s32 $0xA100;
	s21 =	simm.s32 $0xA900  }
0xb: {  	s22 =	simm.s32 $0xB100;
	s23 =	simm.s32 $0xB900;
	s3 =	sand.u32 $0x1, s3  }
0xc: {  	[smem:$0x7FF] =	sst s4;
	s7 =	sshll.u32 s7, $0x6;
	s5 =	ssub.s32 $0x2, s3  }
0xd: {  	s3 =	sshll.u32 s3, $0x5;
	_ =	strace $0x80000047;
	s6 =	sshrl.u32 s5, $0x1  }
0xe: {  	v2 =	vlaneseq.u32;
	s0 =	sadd.s32 s0, s3;
	s3 =	simm.s32 $0x3900;
	s26 =	ssub.s32 s5, s6  }
0xf: {  	vm0 =	vmmov $0xffff;
	v1 =	vshrl.u32 v2, $0x3;
	s0 =	sadd.s32 s7, s0;
	s5 =	sadd.s32 $0x100, s2;
	s6 =	sadd.s32 $0x100, s1  }
0x10: {  	v0 =	vand.u32 $0x7, v2;
	v2 =	vor.u32 $0x8, v2;
	v1 =	vmul.u32 $0x8, v1;
	[dreg:$0x4] =	wrdreg s0;
	s7 =	smax.u32 s26, $0x1;
	s26 =	simm.s32 $0x900  }
.LBB2_1:
0x11: {  	s25 =	rddreg [dreg:$0x4];
	s0 =	simm.s32 $0x9  }
0x12: {  	[tilespmem:s4], [sflag:$0x9] =	stream.linear.gather [hbm4b:s25+s4], $0x100, $0x38;
	[tilespmem:$0x10100] =	vst v63  }
0x13: {  	_ =	swait.ge [sflag:s0], $0x100  }
0x14: {  	[sflag:s0] =	ssyncset.done $0x0  }
0x15: {  	[sflag:s0] =	ssyncadd.s32 $0xFFFFFF00  }
0x16: {  	v3 =	vld [tilespmem:$0x80];
	_ =	sdelay $0x4  }
0x17: {  	v4 =	vshll.u32 v3, $0x2  }
0x18: {  	v3 =	vand.u32 $0x7, v3;
	v4 =	vand.u32 $0xFFFFFFE0, v4  }
0x19: {  	v3 =	vor.u32 v3, v4  }
0x1a: {  	v4 =	vperm.xlane v3, v0;
	_ =	sdelay $0x1  }
0x1b: {  	v4 =	vadd.s32 v1, v4;
	_ =	sdelay $0x1  }
0x1c: {  	v3 =	vperm.xlane v3, v2;
	_ =	sdelay $0x1  }
0x1d: {  	s25 =	simm.s32 $0x100;
	v3 =	vadd.s32 v1, v3  }
0x1e: {  	[tilespmem:s25], [sflag:$0x1] =	stream.indirect_vreg.gather [hbm4b:s2+s4], $0x80, v4, vm0, $0xb8;
	[tilespmem:$0x10100] =	vst v63  }
0x1f: {  	_ = 	snop  }
0x20: {  	[tilespmem:s26], [sflag:$0x1] =	stream.indirect_vreg.gather [hbm4b:s5+s4], $0x80, v4, vm0, $0xb8;
	[tilespmem:$0x10100] =	vst v63  }
0x21: {  	_ = 	snop  }
0x22: {  	[tilespmem:s28], [sflag:$0x1] =	stream.indirect_vreg.gather [hbm4b:s2+s4], $0x80, v3, vm0, $0xb8;
	[tilespmem:$0x10100] =	vst v63  }
0x23: {  	_ = 	snop  }
0x24: {  	[tilespmem:s29], [sflag:$0x1] =	stream.indirect_vreg.gather [hbm4b:s5+s4], $0x80, v3, vm0, $0xb8;
	[tilespmem:$0x10100] =	vst v63  }
0x25: {  	v3 =	vld [tilespmem:$0x90];
	_ =	sdelay $0x4  }
0x26: {  	v49 =	vshll.u32 v3, $0x2  }
0x27: {  	v3 =	vand.u32 $0x7, v3;
	v4 =	vand.u32 $0xFFFFFFE0, v49  }
0x28: {  	v3 =	vor.u32 v3, v4  }
0x29: {  	v4 =	vperm.xlane v3, v0;
	_ =	sdelay $0x1  }
0x2a: {  	v4 =	vadd.s32 v1, v4;
	_ =	sdelay $0x1  }
0x2b: {  	v3 =	vperm.xlane v3, v2;
	_ =	sdelay $0x1  }
0x2c: {  	v3 =	vadd.s32 v1, v3  }
0x2d: {  	[tilespmem:s30], [sflag:$0x1] =	stream.indirect_vreg.gather [hbm4b:s2+s4], $0x80, v4, vm0, $0xb8;
	[tilespmem:$0x10100] =	vst v63  }
0x2e: {  	_ = 	snop  }
0x2f: {  	[tilespmem:s31], [sflag:$0x1] =	stream.indirect_vreg.gather [hbm4b:s5+s4], $0x80, v4, vm0, $0xb8;
	[tilespmem:$0x10100] =	vst v63  }
0x30: {  	_ = 	snop  }
0x31: {  	[tilespmem:s8], [sflag:$0x1] =	stream.indirect_vreg.gather [hbm4b:s2+s4], $0x80, v3, vm0, $0xb8;
	[tilespmem:$0x10100] =	vst v63  }
0x32: {  	_ = 	snop  }
0x33: {  	[tilespmem:s3], [sflag:$0x1] =	stream.indirect_vreg.gather [hbm4b:s5+s4], $0x80, v3, vm0, $0xb8;
	[tilespmem:$0x10100] =	vst v63  }
0x34: {  	v3 =	vld [tilespmem:$0xA0];
	_ =	sdelay $0x4  }
0x35: {  	v50 =	vshll.u32 v3, $0x2  }
0x36: {  	v3 =	vand.u32 $0x7, v3;
	v4 =	vand.u32 $0xFFFFFFE0, v50  }
0x37: {  	v3 =	vor.u32 v3, v4  }
0x38: {  	v4 =	vperm.xlane v3, v0;
	_ =	sdelay $0x1  }
0x39: {  	v4 =	vadd.s32 v1, v4;
	_ =	sdelay $0x1  }
0x3a: {  	v3 =	vperm.xlane v3, v2;
	_ =	sdelay $0x1  }
0x3b: {  	v3 =	vadd.s32 v1, v3  }
0x3c: {  	[tilespmem:s9], [sflag:$0x2] =	stream.indirect_vreg.gather [hbm4b:s2+s4], $0x80, v4, vm0, $0xb8;
	[tilespmem:$0x10100] =	vst v63  }
0x3d: {  	_ = 	snop  }
0x3e: {  	[tilespmem:s10], [sflag:$0x2] =	stream.indirect_vreg.gather [hbm4b:s5+s4], $0x80, v4, vm0, $0xb8;
	[tilespmem:$0x10100] =	vst v63  }
0x3f: {  	_ = 	snop  }
0x40: {  	[tilespmem:s11], [sflag:$0x2] =	stream.indirect_vreg.gather [hbm4b:s2+s4], $0x80, v3, vm0, $0xb8;
	[tilespmem:$0x10100] =	vst v63  }
0x41: {  	_ = 	snop  }
0x42: {  	[tilespmem:s12], [sflag:$0x2] =	stream.indirect_vreg.gather [hbm4b:s5+s4], $0x80, v3, vm0, $0xb8;
	[tilespmem:$0x10100] =	vst v63  }
0x43: {  	v3 =	vld [tilespmem:$0xB0];
	_ =	sdelay $0x4  }
0x44: {  	v51 =	vshll.u32 v3, $0x2  }
0x45: {  	v3 =	vand.u32 $0x7, v3;
	v4 =	vand.u32 $0xFFFFFFE0, v51  }
0x46: {  	v3 =	vor.u32 v3, v4  }
0x47: {  	v4 =	vperm.xlane v3, v0;
	_ =	sdelay $0x1  }
0x48: {  	v4 =	vadd.s32 v1, v4;
	_ =	sdelay $0x1  }
0x49: {  	v3 =	vperm.xlane v3, v2;
	_ =	sdelay $0x1  }
0x4a: {  	v3 =	vadd.s32 v1, v3  }
0x4b: {  	[tilespmem:s13], [sflag:$0x2] =	stream.indirect_vreg.gather [hbm4b:s2+s4], $0x80, v4, vm0, $0xb8;
	[tilespmem:$0x10100] =	vst v63  }
0x4c: {  	_ = 	snop  }
0x4d: {  	[tilespmem:s14], [sflag:$0x2] =	stream.indirect_vreg.gather [hbm4b:s5+s4], $0x80, v4, vm0, $0xb8;
	[tilespmem:$0x10100] =	vst v63  }
0x4e: {  	_ = 	snop  }
0x4f: {  	[tilespmem:s15], [sflag:$0x2] =	stream.indirect_vreg.gather [hbm4b:s2+s4], $0x80, v3, vm0, $0xb8;
	[tilespmem:$0x10100] =	vst v63  }
0x50: {  	_ = 	snop  }
0x51: {  	[tilespmem:s16], [sflag:$0x2] =	stream.indirect_vreg.gather [hbm4b:s5+s4], $0x80, v3, vm0, $0xb8;
	[tilespmem:$0x10100] =	vst v63  }
0x52: {  	v3 =	vld [tilespmem:$0xC0];
	_ =	sdelay $0x4  }
0x53: {  	v52 =	vshll.u32 v3, $0x2  }
0x54: {  	v3 =	vand.u32 $0x7, v3;
	v4 =	vand.u32 $0xFFFFFFE0, v52  }
0x55: {  	v3 =	vor.u32 v3, v4  }
0x56: {  	v4 =	vperm.xlane v3, v0;
	_ =	sdelay $0x1  }
0x57: {  	v4 =	vadd.s32 v1, v4;
	_ =	sdelay $0x1  }
0x58: {  	v3 =	vperm.xlane v3, v2;
	_ =	sdelay $0x1  }
0x59: {  	v3 =	vadd.s32 v1, v3  }
0x5a: {  	[tilespmem:s24], [sflag:$0x3] =	stream.indirect_vreg.gather [hbm4b:s2+s4], $0x80, v4, vm0, $0xb8;
	[tilespmem:$0x10100] =	vst v63  }
0x5b: {  	_ = 	snop  }
0x5c: {  	[tilespmem:s17], [sflag:$0x3] =	stream.indirect_vreg.gather [hbm4b:s5+s4], $0x80, v4, vm0, $0xb8;
	[tilespmem:$0x10100] =	vst v63  }
0x5d: {  	_ = 	snop  }
0x5e: {  	[tilespmem:s18], [sflag:$0x3] =	stream.indirect_vreg.gather [hbm4b:s2+s4], $0x80, v3, vm0, $0xb8;
	[tilespmem:$0x10100] =	vst v63  }
0x5f: {  	_ = 	snop  }
0x60: {  	[tilespmem:s19], [sflag:$0x3] =	stream.indirect_vreg.gather [hbm4b:s5+s4], $0x80, v3, vm0, $0xb8;
	[tilespmem:$0x10100] =	vst v63  }
0x61: {  	v3 =	vld [tilespmem:$0xD0];
	_ =	sdelay $0x4  }
0x62: {  	v53 =	vshll.u32 v3, $0x2  }
0x63: {  	v3 =	vand.u32 $0x7, v3;
	v4 =	vand.u32 $0xFFFFFFE0, v53  }
0x64: {  	v3 =	vor.u32 v3, v4  }
0x65: {  	v4 =	vperm.xlane v3, v0;
	_ =	sdelay $0x1  }
0x66: {  	v4 =	vadd.s32 v1, v4;
	_ =	sdelay $0x1  }
0x67: {  	v3 =	vperm.xlane v3, v2;
	_ =	sdelay $0x1  }
0x68: {  	v3 =	vadd.s32 v1, v3  }
0x69: {  	[tilespmem:s20], [sflag:$0x3] =	stream.indirect_vreg.gather [hbm4b:s2+s4], $0x80, v4, vm0, $0xb8;
	[tilespmem:$0x10100] =	vst v63  }
0x6a: {  	_ = 	snop  }
0x6b: {  	[tilespmem:s21], [sflag:$0x3] =	stream.indirect_vreg.gather [hbm4b:s5+s4], $0x80, v4, vm0, $0xb8;
	[tilespmem:$0x10100] =	vst v63  }
0x6c: {  	_ = 	snop  }
0x6d: {  	[tilespmem:s22], [sflag:$0x3] =	stream.indirect_vreg.gather [hbm4b:s2+s4], $0x80, v3, vm0, $0xb8;
	[tilespmem:$0x10100] =	vst v63  }
0x6e: {  	_ = 	snop  }
0x6f: {  	[tilespmem:s23], [sflag:$0x3] =	stream.indirect_vreg.gather [hbm4b:s5+s4], $0x80, v3, vm0, $0xb8;
	[tilespmem:$0x10100] =	vst v63  }
0x70: {  	v3 =	vld [tilespmem:$0xE0];
	_ =	sdelay $0x4  }
0x71: {  	v54 =	vshll.u32 v3, $0x2  }
0x72: {  	v3 =	vand.u32 $0x7, v3;
	v4 =	vand.u32 $0xFFFFFFE0, v54  }
0x73: {  	v3 =	vor.u32 v3, v4  }
0x74: {  	v4 =	vperm.xlane v3, v0;
	_ =	sdelay $0x1  }
0x75: {  	v4 =	vadd.s32 v1, v4;
	_ =	sdelay $0x1  }
0x76: {  	v3 =	vperm.xlane v3, v2;
	_ =	sdelay $0x1  }
0x77: {  	s0 =	simm.s32 $0xC100;
	v3 =	vadd.s32 v1, v3  }
0x78: {  	[tilespmem:s0], [sflag:$0x4] =	stream.indirect_vreg.gather [hbm4b:s2+s4], $0x80, v4, vm0, $0xb8;
	[tilespmem:$0x10100] =	vst v63  }
0x79: {  	s0 =	simm.s32 $0xC900  }
0x7a: {  	[tilespmem:s0], [sflag:$0x4] =	stream.indirect_vreg.gather [hbm4b:s5+s4], $0x80, v4, vm0, $0xb8;
	[tilespmem:$0x10100] =	vst v63  }
0x7b: {  	s0 =	simm.s32 $0xD100  }
0x7c: {  	[tilespmem:s0], [sflag:$0x4] =	stream.indirect_vreg.gather [hbm4b:s2+s4], $0x80, v3, vm0, $0xb8;
	[tilespmem:$0x10100] =	vst v63  }
0x7d: {  	s0 =	simm.s32 $0xD900  }
0x7e: {  	[tilespmem:s0], [sflag:$0x4] =	stream.indirect_vreg.gather [hbm4b:s5+s4], $0x80, v3, vm0, $0xb8;
	[tilespmem:$0x10100] =	vst v63  }
0x7f: {  	v3 =	vld [tilespmem:$0xF0];
	_ =	sdelay $0x4  }
0x80: {  	v55 =	vshll.u32 v3, $0x2  }
0x81: {  	v3 =	vand.u32 $0x7, v3;
	v4 =	vand.u32 $0xFFFFFFE0, v55  }
0x82: {  	v3 =	vor.u32 v3, v4  }
0x83: {  	v4 =	vperm.xlane v3, v0;
	_ =	sdelay $0x1  }
0x84: {  	v4 =	vadd.s32 v1, v4;
	_ =	sdelay $0x1  }
0x85: {  	v3 =	vperm.xlane v3, v2;
	_ =	sdelay $0x1  }
0x86: {  	s0 =	simm.s32 $0xE100;
	v3 =	vadd.s32 v1, v3  }
0x87: {  	[tilespmem:s0], [sflag:$0x4] =	stream.indirect_vreg.gather [hbm4b:s2+s4], $0x80, v4, vm0, $0xb8;
	[tilespmem:$0x10100] =	vst v63  }
0x88: {  	s0 =	simm.s32 $0xE900  }
0x89: {  	[tilespmem:s0], [sflag:$0x4] =	stream.indirect_vreg.gather [hbm4b:s5+s4], $0x80, v4, vm0, $0xb8;
	[tilespmem:$0x10100] =	vst v63  }
0x8a: {  	s0 =	simm.s32 $0xF100  }
0x8b: {  	[tilespmem:s0], [sflag:$0x4] =	stream.indirect_vreg.gather [hbm4b:s2+s4], $0x80, v3, vm0, $0xb8;
	[tilespmem:$0x10100] =	vst v63  }
0x8c: {  	s0 =	simm.s32 $0xF900  }
0x8d: {  	[tilespmem:s0], [sflag:$0x4] =	stream.indirect_vreg.gather [hbm4b:s5+s4], $0x80, v3, vm0, $0xb8;
	[tilespmem:$0x10100] =	vst v63  }
0x8e: {  	s0 =	simm.s32 $0x1  }
0x8f: {  	_ =	swait.ge [sflag:s0], $0x4000  }
0x90: {  	[sflag:s0] =	ssyncset.done $0x0  }
0x91: {  	[sflag:s0] =	ssyncadd.s32 $0xFFFFC000  }
0x92: {  	v3 =	vld [tilespmem:$0x0];
	_ =	sdelay $0x4  }
0x93: {  	v56 =	vshll.u32 v3, $0x2  }
0x94: {  	v3 =	vand.u32 $0x7, v3;
	v4 =	vand.u32 $0xFFFFFFE0, v56  }
0x95: {  	v3 =	vor.u32 v3, v4  }
0x96: {  	v4 =	vperm.xlane v3, v0;
	_ =	sdelay $0x1  }
0x97: {  	v4 =	vadd.s32 v1, v4;
	_ =	sdelay $0x1  }
0x98: {  	v3 =	vperm.xlane v3, v2;
	_ =	sdelay $0x1  }
0x99: {  	v3 =	vadd.s32 v1, v3  }
0x9a: {  	[hbm4b:s1+s4] =	stream.indirect_vreg.scatter [tilespmem:s25], [sflag:$0x5], $0x80, v4, vm0, $0xb8;
	[tilespmem:$0x10100] =	vst v63  }
0x9b: {  	_ = 	snop  }
0x9c: {  	[hbm4b:s6+s4] =	stream.indirect_vreg.scatter [tilespmem:s26], [sflag:$0x5], $0x80, v4, vm0, $0xb8;
	[tilespmem:$0x10100] =	vst v63  }
0x9d: {  	_ = 	snop  }
0x9e: {  	[hbm4b:s1+s4] =	stream.indirect_vreg.scatter [tilespmem:s28], [sflag:$0x5], $0x80, v3, vm0, $0xb8;
	[tilespmem:$0x10100] =	vst v63  }
0x9f: {  	_ = 	snop  }
0xa0: {  	[hbm4b:s6+s4] =	stream.indirect_vreg.scatter [tilespmem:s29], [sflag:$0x5], $0x80, v3, vm0, $0xb8;
	[tilespmem:$0x10100] =	vst v63  }
0xa1: {  	v3 =	vld [tilespmem:$0x10];
	_ =	sdelay $0x4  }
0xa2: {  	v57 =	vshll.u32 v3, $0x2  }
0xa3: {  	v3 =	vand.u32 $0x7, v3;
	v4 =	vand.u32 $0xFFFFFFE0, v57  }
0xa4: {  	v3 =	vor.u32 v3, v4  }
0xa5: {  	v4 =	vperm.xlane v3, v0;
	_ =	sdelay $0x1  }
0xa6: {  	v4 =	vadd.s32 v1, v4;
	_ =	sdelay $0x1  }
0xa7: {  	v3 =	vperm.xlane v3, v2;
	_ =	sdelay $0x1  }
0xa8: {  	v3 =	vadd.s32 v1, v3  }
0xa9: {  	[hbm4b:s1+s4] =	stream.indirect_vreg.scatter [tilespmem:s30], [sflag:$0x5], $0x80, v4, vm0, $0xb8;
	[tilespmem:$0x10100] =	vst v63  }
0xaa: {  	_ = 	snop  }
0xab: {  	[hbm4b:s6+s4] =	stream.indirect_vreg.scatter [tilespmem:s31], [sflag:$0x5], $0x80, v4, vm0, $0xb8;
	[tilespmem:$0x10100] =	vst v63  }
0xac: {  	_ = 	snop  }
0xad: {  	[hbm4b:s1+s4] =	stream.indirect_vreg.scatter [tilespmem:s8], [sflag:$0x5], $0x80, v3, vm0, $0xb8;
	[tilespmem:$0x10100] =	vst v63  }
0xae: {  	s25 =	simm.s32 $0x2  }
0xaf: {  	[hbm4b:s6+s4] =	stream.indirect_vreg.scatter [tilespmem:s3], [sflag:$0x5], $0x80, v3, vm0, $0xb8;
	[tilespmem:$0x10100] =	vst v63  }
0xb0: {  	_ =	swait.ge [sflag:s25], $0x4000  }
0xb1: {  	[sflag:s25] =	ssyncset.done $0x0  }
0xb2: {  	[sflag:s25] =	ssyncadd.s32 $0xFFFFC000  }
0xb3: {  	v3 =	vld [tilespmem:$0x20];
	_ =	sdelay $0x4  }
0xb4: {  	v58 =	vshll.u32 v3, $0x2  }
0xb5: {  	v3 =	vand.u32 $0x7, v3;
	v4 =	vand.u32 $0xFFFFFFE0, v58  }
0xb6: {  	v3 =	vor.u32 v3, v4  }
0xb7: {  	v4 =	vperm.xlane v3, v0;
	_ =	sdelay $0x1  }
0xb8: {  	v4 =	vadd.s32 v1, v4;
	_ =	sdelay $0x1  }
0xb9: {  	v3 =	vperm.xlane v3, v2;
	_ =	sdelay $0x1  }
0xba: {  	v3 =	vadd.s32 v1, v3  }
0xbb: {  	[hbm4b:s1+s4] =	stream.indirect_vreg.scatter [tilespmem:s9], [sflag:$0x6], $0x80, v4, vm0, $0xb8;
	[tilespmem:$0x10100] =	vst v63  }
0xbc: {  	_ = 	snop  }
0xbd: {  	[hbm4b:s6+s4] =	stream.indirect_vreg.scatter [tilespmem:s10], [sflag:$0x6], $0x80, v4, vm0, $0xb8;
	[tilespmem:$0x10100] =	vst v63  }
0xbe: {  	_ = 	snop  }
0xbf: {  	[hbm4b:s1+s4] =	stream.indirect_vreg.scatter [tilespmem:s11], [sflag:$0x6], $0x80, v3, vm0, $0xb8;
	[tilespmem:$0x10100] =	vst v63  }
0xc0: {  	_ = 	snop  }
0xc1: {  	[hbm4b:s6+s4] =	stream.indirect_vreg.scatter [tilespmem:s12], [sflag:$0x6], $0x80, v3, vm0, $0xb8;
	[tilespmem:$0x10100] =	vst v63  }
0xc2: {  	v3 =	vld [tilespmem:$0x30];
	_ =	sdelay $0x4  }
0xc3: {  	v59 =	vshll.u32 v3, $0x2  }
0xc4: {  	v3 =	vand.u32 $0x7, v3;
	v4 =	vand.u32 $0xFFFFFFE0, v59  }
0xc5: {  	v3 =	vor.u32 v3, v4  }
0xc6: {  	v4 =	vperm.xlane v3, v0;
	_ =	sdelay $0x1  }
0xc7: {  	v4 =	vadd.s32 v1, v4;
	_ =	sdelay $0x1  }
0xc8: {  	v3 =	vperm.xlane v3, v2;
	_ =	sdelay $0x1  }
0xc9: {  	v3 =	vadd.s32 v1, v3  }
0xca: {  	[hbm4b:s1+s4] =	stream.indirect_vreg.scatter [tilespmem:s13], [sflag:$0x6], $0x80, v4, vm0, $0xb8;
	[tilespmem:$0x10100] =	vst v63  }
0xcb: {  	_ = 	snop  }
0xcc: {  	[hbm4b:s6+s4] =	stream.indirect_vreg.scatter [tilespmem:s14], [sflag:$0x6], $0x80, v4, vm0, $0xb8;
	[tilespmem:$0x10100] =	vst v63  }
0xcd: {  	_ = 	snop  }
0xce: {  	[hbm4b:s1+s4] =	stream.indirect_vreg.scatter [tilespmem:s15], [sflag:$0x6], $0x80, v3, vm0, $0xb8;
	[tilespmem:$0x10100] =	vst v63  }
0xcf: {  	s25 =	simm.s32 $0x3  }
0xd0: {  	[hbm4b:s6+s4] =	stream.indirect_vreg.scatter [tilespmem:s16], [sflag:$0x6], $0x80, v3, vm0, $0xb8;
	[tilespmem:$0x10100] =	vst v63  }
0xd1: {  	_ =	swait.ge [sflag:s25], $0x4000  }
0xd2: {  	[sflag:s25] =	ssyncset.done $0x0  }
0xd3: {  	[sflag:s25] =	ssyncadd.s32 $0xFFFFC000  }
0xd4: {  	v3 =	vld [tilespmem:$0x40];
	_ =	sdelay $0x4  }
0xd5: {  	v60 =	vshll.u32 v3, $0x2  }
0xd6: {  	v3 =	vand.u32 $0x7, v3;
	v4 =	vand.u32 $0xFFFFFFE0, v60  }
0xd7: {  	v3 =	vor.u32 v3, v4  }
0xd8: {  	v4 =	vperm.xlane v3, v0;
	_ =	sdelay $0x1  }
0xd9: {  	v4 =	vadd.s32 v1, v4;
	_ =	sdelay $0x1  }
0xda: {  	v3 =	vperm.xlane v3, v2;
	_ =	sdelay $0x1  }
0xdb: {  	v3 =	vadd.s32 v1, v3  }
0xdc: {  	[hbm4b:s1+s4] =	stream.indirect_vreg.scatter [tilespmem:s24], [sflag:$0x7], $0x80, v4, vm0, $0xb8;
	[tilespmem:$0x10100] =	vst v63  }
0xdd: {  	_ = 	snop  }
0xde: {  	[hbm4b:s6+s4] =	stream.indirect_vreg.scatter [tilespmem:s17], [sflag:$0x7], $0x80, v4, vm0, $0xb8;
	[tilespmem:$0x10100] =	vst v63  }
0xdf: {  	_ = 	snop  }
0xe0: {  	[hbm4b:s1+s4] =	stream.indirect_vreg.scatter [tilespmem:s18], [sflag:$0x7], $0x80, v3, vm0, $0xb8;
	[tilespmem:$0x10100] =	vst v63  }
0xe1: {  	_ = 	snop  }
0xe2: {  	[hbm4b:s6+s4] =	stream.indirect_vreg.scatter [tilespmem:s19], [sflag:$0x7], $0x80, v3, vm0, $0xb8;
	[tilespmem:$0x10100] =	vst v63  }
0xe3: {  	v3 =	vld [tilespmem:$0x50];
	_ =	sdelay $0x4  }
0xe4: {  	v61 =	vshll.u32 v3, $0x2  }
0xe5: {  	v3 =	vand.u32 $0x7, v3;
	v4 =	vand.u32 $0xFFFFFFE0, v61  }
0xe6: {  	v3 =	vor.u32 v3, v4  }
0xe7: {  	v4 =	vperm.xlane v3, v0;
	_ =	sdelay $0x1  }
0xe8: {  	v4 =	vadd.s32 v1, v4;
	_ =	sdelay $0x1  }
0xe9: {  	v3 =	vperm.xlane v3, v2;
	_ =	sdelay $0x1  }
0xea: {  	v3 =	vadd.s32 v1, v3  }
0xeb: {  	[hbm4b:s1+s4] =	stream.indirect_vreg.scatter [tilespmem:s20], [sflag:$0x7], $0x80, v4, vm0, $0xb8;
	[tilespmem:$0x10100] =	vst v63  }
0xec: {  	_ = 	snop  }
0xed: {  	[hbm4b:s6+s4] =	stream.indirect_vreg.scatter [tilespmem:s21], [sflag:$0x7], $0x80, v4, vm0, $0xb8;
	[tilespmem:$0x10100] =	vst v63  }
0xee: {  	_ = 	snop  }
0xef: {  	[hbm4b:s1+s4] =	stream.indirect_vreg.scatter [tilespmem:s22], [sflag:$0x7], $0x80, v3, vm0, $0xb8;
	[tilespmem:$0x10100] =	vst v63  }
0xf0: {  	s25 =	simm.s32 $0x4  }
0xf1: {  	[hbm4b:s6+s4] =	stream.indirect_vreg.scatter [tilespmem:s23], [sflag:$0x7], $0x80, v3, vm0, $0xb8;
	[tilespmem:$0x10100] =	vst v63  }
0xf2: {  	_ =	swait.ge [sflag:s25], $0x4000  }
0xf3: {  	[sflag:s25] =	ssyncset.done $0x0  }
0xf4: {  	[sflag:s25] =	ssyncadd.s32 $0xFFFFC000  }
0xf5: {  	v3 =	vld [tilespmem:$0x60];
	_ =	sdelay $0x4  }
0xf6: {  	v62 =	vshll.u32 v3, $0x2  }
0xf7: {  	v3 =	vand.u32 $0x7, v3;
	v4 =	vand.u32 $0xFFFFFFE0, v62  }
0xf8: {  	v3 =	vor.u32 v3, v4  }
0xf9: {  	v4 =	vperm.xlane v3, v0;
	_ =	sdelay $0x1  }
0xfa: {  	v4 =	vadd.s32 v1, v4;
	_ =	sdelay $0x1  }
0xfb: {  	v3 =	vperm.xlane v3, v2;
	_ =	sdelay $0x1  }
0xfc: {  	s25 =	simm.s32 $0xC100;
	v3 =	vadd.s32 v1, v3  }
0xfd: {  	[hbm4b:s1+s4] =	stream.indirect_vreg.scatter [tilespmem:s25], [sflag:$0x8], $0x80, v4, vm0, $0xb8;
	[tilespmem:$0x10100] =	vst v63  }
0xfe: {  	s25 =	simm.s32 $0xC900  }
0xff: {  	[hbm4b:s6+s4] =	stream.indirect_vreg.scatter [tilespmem:s25], [sflag:$0x8], $0x80, v4, vm0, $0xb8;
	[tilespmem:$0x10100] =	vst v63  }
0x100: {  	s25 =	simm.s32 $0xD100  }
0x101: {  	[hbm4b:s1+s4] =	stream.indirect_vreg.scatter [tilespmem:s25], [sflag:$0x8], $0x80, v3, vm0, $0xb8;
	[tilespmem:$0x10100] =	vst v63  }
0x102: {  	s25 =	simm.s32 $0xD900  }
0x103: {  	[hbm4b:s6+s4] =	stream.indirect_vreg.scatter [tilespmem:s25], [sflag:$0x8], $0x80, v3, vm0, $0xb8;
	[tilespmem:$0x10100] =	vst v63  }
0x104: {  	v3 =	vld [tilespmem:$0x70];
	_ =	sdelay $0x4  }
0x105: {  	v63 =	vshll.u32 v3, $0x2  }
0x106: {  	v3 =	vand.u32 $0x7, v3;
	v4 =	vand.u32 $0xFFFFFFE0, v63  }
0x107: {  	v3 =	vor.u32 v3, v4  }
0x108: {  	v4 =	vperm.xlane v3, v0;
	_ =	sdelay $0x1  }
0x109: {  	v4 =	vadd.s32 v1, v4;
	_ =	sdelay $0x1  }
0x10a: {  	v3 =	vperm.xlane v3, v2;
	_ =	sdelay $0x1  }
0x10b: {  	s25 =	simm.s32 $0xE100;
	v3 =	vadd.s32 v1, v3  }
0x10c: {  	[hbm4b:s1+s4] =	stream.indirect_vreg.scatter [tilespmem:s25], [sflag:$0x8], $0x80, v4, vm0, $0xb8;
	[tilespmem:$0x10100] =	vst v63  }
0x10d: {  	s25 =	simm.s32 $0xE900  }
0x10e: {  	[hbm4b:s6+s4] =	stream.indirect_vreg.scatter [tilespmem:s25], [sflag:$0x8], $0x80, v4, vm0, $0xb8;
	[tilespmem:$0x10100] =	vst v63  }
0x10f: {  	s25 =	simm.s32 $0xF100  }
0x110: {  	[hbm4b:s1+s4] =	stream.indirect_vreg.scatter [tilespmem:s25], [sflag:$0x8], $0x80, v3, vm0, $0xb8;
	[tilespmem:$0x10100] =	vst v63  }
0x111: {  	s25 =	simm.s32 $0xF900  }
0x112: {  	[hbm4b:s6+s4] =	stream.indirect_vreg.scatter [tilespmem:s25], [sflag:$0x8], $0x80, v3, vm0, $0xb8;
	[tilespmem:$0x10100] =	vst v63  }
0x113: {  	s25 =	simm.s32 $0x5  }
0x114: {  	_ =	swait.ge [sflag:s25], $0x4000  }
0x115: {  	[sflag:s25] =	ssyncset.done $0x0  }
0x116: {  	[sflag:s25] =	ssyncadd.s32 $0xFFFFC000;
	s25 =	simm.s32 $0x6  }
0x117: {  	_ =	swait.ge [sflag:s25], $0x4000  }
0x118: {  	[sflag:s25] =	ssyncset.done $0x0  }
0x119: {  	[sflag:s25] =	ssyncadd.s32 $0xFFFFC000;
	s25 =	simm.s32 $0x7  }
0x11a: {  	p0 =	sne.s32 s7, $0x1;
	_ =	swait.ge [sflag:s25], $0x4000  }
.Ltmp0:
0x11b: {  	[sflag:s25] =	ssyncset.done $0x0;
	(pc) =	sbr.rel @p0 .LBB2_1-.Ltmp0, $4  }
0x11c: {  	[sflag:s25] =	ssyncadd.s32 $0xFFFFC000;
	s25 =	simm.s32 $0x8  }
0x11d: {  	_ =	swait.ge [sflag:s25], $0x4000  }
0x11e: {  	[sflag:s25] =	ssyncset.done $0x0  }
0x11f: {  	s7 =	sadd.s32 $0xFFFFFFFF, s7;
	[sflag:s25] =	ssyncadd.s32 $0xFFFFC000  }
0x120: {  	_ =	sfence.sel $0x180000  }
0x121: {  	[bflag:$0x0] =	sbarrier.arrive $0xFFFF  }
0x122: {  	_ =	strace $0x90000047  }
0x123: {  	s0 =	stileid.u32;
	[bflag:$0x2] =	sbarrier.arrive $0xFFFF  }
0x124: {  	p0 =	sne.s32 s0, $0x0;
	s0 =	rddreg [dreg:$0x3]  }
0x125: {  	s0 =	sadd.s32 @!p0 $0x100000, s0  }
0x126: {  	[sflag:s0] =	ssyncadd.tile.s32 @!p0 $0x1;
	_ =	shalt  }
.Lfunc_end2:
_tile_overlayer_lowered:
.L_overlay_start_2:
0x127: {  	(tag) =	ssettag $0x2  }
0x128: {  	s0 =	rddreg [dreg:$0x0];
	s2 =	stileid.u32  }
0x129: {  	s1 =	rddreg [dreg:$0x1];
	p0 =	sne.s32 s2, $0x0  }
0x12a: {  	s3 =	rddreg [dreg:$0x2];
	[bflag:$0x3] =	sbarrier.arrive $0xFFFF;
	s2 =	simm.s32 @!p0 $0x1C09  }
0x12b: {  	[timem:s3], [sflag:s2] =	dma.local @!p0 [hbm:s0], s1  }
0x12c: {  	s0 =	simm.s32 @!p0 $0x9  }
0x12d: {  	_ =	swait.ge @!p0 [sflag:s0], s1  }
0x12e: {  	s1 =	ssub.s32 @!p0 $0x0, s1;
	[sflag:s0] =	ssyncset.done @!p0 $0x0  }
0x12f: {  	[sflag:s0] =	ssyncadd.s32 @!p0 s1  }
0x130: {  	[bflag:$0x3] =	sbarrier.arrive $0xFFFF  }
0x131: {  	_ =	shalt  }

// kernel: kernel.8.cloned.1.call-start
scs
__scs_entry_jumppad:
0x0: {  	(pc) =	sbr.rel $0x88, $3  }
0x1: {  	(tag) =	ssettag $0x0;
	lr =	simm.s32 $0x1  }
0x2: {  	[smem:$0x3F9D] =	sst lr;
	_ =	strace $0xD0000000  }
0x3: {  	_ = 	snop  }
0x4: {  	_ = 	snop  }
0x5: {  	_ = 	snop  }
0x6: {  	_ = 	snop  }
0x7: {  	_ = 	snop  }
__scs_overlays_trampoline_lowered:
0x8: {  	[smem:$0x3FAC] =	sst s0  }
0x9: {  	[smem:$0x3FAD] =	sst s1  }
0xa: {  	[smem:$0x3FAE] =	sst s2  }
0xb: {  	[smem:$0x3FAF] =	sst s3  }
0xc: {  	[smem:$0x3FB0] =	sst s4  }
0xd: {  	[smem:$0x3FB1] =	sst s5  }
0xe: {  	[smem:$0x3FB2] =	sst s6  }
0xf: {  	[smem:$0x3FB3] =	sst s7  }
0x10: {  	[smem:$0x3FB4] =	sst s8  }
0x11: {  	[smem:$0x3FB5] =	sst s9;
	s0 =	simm.s32 @!p0 $0x0  }
0x12: {  	s1 =	sld [smem:$0x3F9B];
	s0 =	simm.s32 @p0 $0x1  }
0x13: {  	[smem:$0x3FB6] =	sst s0;
	s0 =	simm.s32 @!p1 $0x0  }
0x14: {  	s2 =	sld [smem:$0x3F9A];
	s0 =	simm.s32 @p1 $0x1  }
0x15: {  	[smem:$0x3FB7] =	sst s0;
	s0 =	simm.s32 @!p2 $0x0  }
0x16: {  	s3 =	sld [smem:$0x3FDB];
	s0 =	simm.s32 @p2 $0x1  }
0x17: {  	s4 =	simm.s32 $0x1BF5;
	[smem:$0x3FB9] =	sst s0  }
0x18: {  	s0 =	sld [smem:$0x3F9C];
	_ =	swait.ge [sflag:s4], $0x0  }
0x19: {  	s7 =	sld [smem:$0x3F9D]  }
0x1a: {  	s8 =	sadd.s32 $0xFFFFE003, lr  }
0x1b: {  	s9 =	sadd.s32 $0xFFFFFEF7, lr;
	s5 =	simm.s32 $0xFFFFFFFF;
	p2 =	slt.u32 s8, $0xFFFFF086  }
0x1c: {  	p1 =	slt.u32 s9, $0xF7A;
	s5 =	simm.s32 @!p2 $0x0  }
0x1d: {  	s5 =	simm.s32 @p1 $0x1;
	p0 =	seq.s32 s7, s2  }
0x1e: {  	s7 =	smul.u32 @!p0 $0xF7A, s2;
	p2 =	seq.s32 @!p0 s5, $0x0  }
0x1f: {  	s9 =	smul.u32 $0xF7A, s1;
	s8 =	simm.s32 @!p0 $0x1BF5;
	p2 =	por !p2, p0  }
0x20: {  	[sflag:s8] =	ssyncset.s32 @!p0 $0xFFFFF086;
	s6 =	sadd.s32 @!p0 s3, s7;
	s7 =	simm.s32 @!p0 $0x108  }
0x21: {  	s3 =	sadd.s32 s3, s9;
	s6 =	sadd.s32 @!p0 $0x88, s6;
	s7 =	simm.s32 @p2 $0x1082  }
0x22: {  	[simem:s7], [sflag:s8] =	dma.local @!p0 [hbm:s6], $0xF7A  }
0x23: {  	s9 =	sor.u32 $0xD0000000, s2;
	s6 =	simm.s32 $0x108;
	_ =	swait.ge @!p0 [sflag:s8], $0x0  }
0x24: {  	s3 =	sadd.s32 $0x88, s3;
	s6 =	simm.s32 @!p1 $0x1082;
	[sflag:s4] =	ssyncset.s32 $0xFFFFF086  }
0x25: {  	[simem:s6], [sflag:s4] =	dma.local [hbm:s3], $0xF7A  }
0x26: {  	[smem:$0x3F9D] =	sst s1;
	(tag) =	ssettag s2;
	_ =	strace s9  }
0x27: {  	s1 =	sld [smem:$0x3FAD]  }
0x28: {  	s2 =	sld [smem:$0x3FAE]  }
0x29: {  	s4 =	sld [smem:$0x3FB0]  }
0x2a: {  	p0 =	seq.s32 s5, $0x0;
	s5 =	sld [smem:$0x3FB1]  }
0x2b: {  	s6 =	sld [smem:$0x3FB2]  }
0x2c: {  	s7 =	sld [smem:$0x3FB3]  }
0x2d: {  	s3 =	simm.s32 $0x108;
	s8 =	sld [smem:$0x3FB4]  }
0x2e: {  	s3 =	simm.s32 @!p0 $0x1082;
	s9 =	sld [smem:$0x3FB5]  }
0x2f: {  	lr =	sadd.s32 s0, s3;
	s0 =	sld [smem:$0x3FAC]  }
0x30: {  	s3 =	sld [smem:$0x3FAF]  }
0x31: {  	[smem:$0x3FB8] =	sst s10  }
0x32: {  	s10 =	sld [smem:$0x3FB6];
	_ =	sdelay $0x3  }
0x33: {  	p0 =	seq.s32 s10, $0x1;
	s10 =	sld [smem:$0x3FB8];
	_ =	sdelay $0x3  }
0x34: {  	[smem:$0x3FB8] =	sst s10  }
0x35: {  	s10 =	sld [smem:$0x3FB7];
	_ =	sdelay $0x3  }
0x36: {  	p1 =	seq.s32 s10, $0x1;
	s10 =	sld [smem:$0x3FB8];
	_ =	sdelay $0x3  }
0x37: {  	[smem:$0x3FB8] =	sst s10  }
0x38: {  	s10 =	sld [smem:$0x3FB9]  }
0x39: {  	_ = 	snop;
	(pc) =	sbr.ind lr, $3  }
0x3a: {  	_ = 	snop  }
0x3b: {  	_ = 	snop  }
0x3c: {  	p2 =	seq.s32 s10, $0x1;
	s10 =	sld [smem:$0x3FB8]  }
0x3d: {  	_ =	shalt  }
0x3e: {  	_ =	shalt  }
0x3f: {  	_ =	shalt  }
0x40: {  	_ =	shalt  }
0x41: {  	_ =	shalt  }
0x42: {  	_ =	shalt  }
0x43: {  	_ =	shalt  }
0x44: {  	_ =	shalt  }
0x45: {  	_ =	shalt  }
0x46: {  	_ =	shalt  }
0x47: {  	_ =	shalt  }
0x48: {  	_ =	shalt  }
0x49: {  	_ =	shalt  }
0x4a: {  	_ =	shalt  }
0x4b: {  	_ =	shalt  }
0x4c: {  	_ =	shalt  }
0x4d: {  	_ =	shalt  }
0x4e: {  	_ =	shalt  }
0x4f: {  	_ =	shalt  }
0x50: {  	_ =	shalt  }
0x51: {  	_ =	shalt  }
0x52: {  	_ =	shalt  }
0x53: {  	_ =	shalt  }
0x54: {  	_ =	shalt  }
0x55: {  	_ =	shalt  }
0x56: {  	_ =	shalt  }
0x57: {  	_ =	shalt  }
0x58: {  	_ =	shalt  }
0x59: {  	_ =	shalt  }
0x5a: {  	_ =	shalt  }
0x5b: {  	_ =	shalt  }
0x5c: {  	_ =	shalt  }
0x5d: {  	_ =	shalt  }
0x5e: {  	_ =	shalt  }
0x5f: {  	_ =	shalt  }
0x60: {  	_ =	shalt  }
0x61: {  	_ =	shalt  }
0x62: {  	_ =	shalt  }
0x63: {  	_ =	shalt  }
0x64: {  	_ =	shalt  }
0x65: {  	_ =	shalt  }
0x66: {  	_ =	shalt  }
0x67: {  	_ =	shalt  }
0x68: {  	_ =	shalt  }
0x69: {  	_ =	shalt  }
0x6a: {  	_ =	shalt  }
0x6b: {  	_ =	shalt  }
0x6c: {  	_ =	shalt  }
0x6d: {  	_ =	shalt  }
0x6e: {  	_ =	shalt  }
0x6f: {  	_ =	shalt  }
0x70: {  	_ =	shalt  }
0x71: {  	_ =	shalt  }
0x72: {  	_ =	shalt  }
0x73: {  	_ =	shalt  }
0x74: {  	_ =	shalt  }
0x75: {  	_ =	shalt  }
0x76: {  	_ =	shalt  }
0x77: {  	_ =	shalt  }
0x78: {  	_ =	shalt  }
0x79: {  	_ =	shalt  }
0x7a: {  	_ =	shalt  }
0x7b: {  	_ =	shalt  }
0x7c: {  	_ =	shalt  }
0x7d: {  	_ =	shalt  }
0x7e: {  	_ =	shalt  }
0x7f: {  	_ =	shalt  }
0x80: {  	_ =	shalt  }
0x81: {  	_ =	shalt  }
0x82: {  	_ =	shalt  }
0x83: {  	_ =	shalt  }
0x84: {  	_ =	shalt  }
0x85: {  	_ =	shalt  }
0x86: {  	_ =	shalt  }
0x87: {  	_ =	shalt  }
.Lfunc_end0:
.L_simem_size_0:
called_computation.1_lowered:
.L_overlay_start_0:
0x88: {  	s2 =	sld [smem:$0x3FD9]  }
0x89: {  	s3 =	sld [smem:$0x3FFE];
	_ =	sdelay $0x1  }
0x8a: {  	s1 =	srdreg.scid  }
0x8b: {  	s0 =	sand.u32 $0x1, s1  }
0x8c: {  	s15 =	sshll.u32 s0, $0xA;
	s2 =	sadd.s32 s3, s2  }
0x8d: {  	s2 =	sadd.s32 s2, s15  }
0x8e: {  	[smem:$0x3FC4] =	sst s2  }
0x8f: {  	_ = 	snop  }
0x90: {  	s2 =	sld [smem:$0x3FD0];
	_ =	sdelay $0x2  }
0x91: {  	s4 =	simm.s32 $0xA;
	s5 =	simm.s32 $0x10;
	s16 =	sld [smem:$0x3FC7]  }
0x92: {  	[smem:s5], [sflag:s4] =	dma.local [hbm:s2], $0x1  }
0x93: {  	_ =	swait.eq [sflag:s4], $0x1  }
0x94: {  	[sflag:s4] =	ssyncset.done $0x0  }
0x95: {  	s17 =	sld [smem:$0x10];
	[sflag:s4] =	ssyncadd.s32 $0xFFFFFFFF  }
0x96: {  	s18 =	sld [smem:$0x11];
	(tm) =	ssettm $0x1  }
0x97: {  	s19 =	sld [smem:$0x3FFB];
	_ =	sdelay $0x3  }
0x98: {  	_ =	strace s19  }
0x99: {  	s5 =	sld [smem:$0x3FFC];
	_ =	sdelay $0x3  }
0x9a: {  	_ =	strace s5  }
0x9b: {  	s5 =	sld [smem:$0x3FFD];
	_ =	sdelay $0x3  }
0x9c: {  	_ =	strace s5  }
0x9d: {  	_ =	strace $0x8FFFFFFF  }
0x9e: {  	s20 =	sld [smem:$0x3FDB];
	_ =	sdelay $0x1  }
0x9f: {  	s6 =	simm.s32 $_scs_section_size  }
0xa0: {  	s7 =	simm.s32 $_size__tile_overlayer_lowered;
	s8 =	simm.s32 $_tile_overlayer_lowered  }
0xa1: {  	s23 =	simm.s32 $0x1BFF;
	s22 =	sshll.u32 s8, $0x1;
	s5 =	sadd.s32 s6, s20  }
0xa2: {  	s9 =	simm.s32 $0x0;
	s21 =	sshll.u32 s7, $0x1;
	s7 =	sadd.s32 s22, s5  }
0xa3: {  	[timem:s9], [sflag:s23] =	dma.local [hbm:s7], s21  }
0xa4: {  	_ =	swait.ge [sflag:s23], s21  }
0xa5: {  	s6 =	ssub.s32 $0x0, s21;
	[sflag:s23] =	ssyncset.done $0x0  }
0xa6: {  	[sflag:s23] =	ssyncadd.s32 s6;
	_ =	sdelay $0x1  }
0xa7: {  	s24 =	simm.s32 $0x1B8B  }
0xa8: {  	_ =	swait.ge [sflag:s24], $0x1  }
0xa9: {  	[sflag:s24] =	ssyncset.done $0x0  }
0xaa: {  	s25 =	simm.s32 $0x1B8E;
	[sflag:s24] =	ssyncadd.s32 $0xFFFFFFFF  }
0xab: {  	s26 =	simm.s32 $execute0_lowered;
	[smem:$0x3FD2] =	sst s25  }
0xac: {  	s6 =	sshll.u32 s26, $0x1;
	_ =	strace $0x80000049;
	[dreg:$0x1] =	wrdreg $0xFFFFFFFF  }
0xad: {  	s28 =	simm.s32 $_size_execute0_lowered;
	s5 =	sadd.s32 s5, s6;
	[dreg:$0x0] =	wrdreg $0x0  }
0xae: {  	s6 =	sshll.u32 s28, $0x1;
	[dreg:$0x2] =	wrdreg s5  }
0xaf: {  	[dreg:$0x3] =	wrdreg s6  }
0xb0: {  	[dreg:$0x4] =	wrdreg $0xC0  }
0xb1: {  	_ =	task [dreg:s9], $0x5FFFF  }
0xb2: {  	[dreg:$0x1] =	wrdreg $0xFFFFFFFF  }
0xb3: {  	[dreg:$0x0] =	wrdreg $0x60  }
0xb4: {  	[dreg:$0x2] =	wrdreg s18  }
0xb5: {  	[dreg:$0x3] =	wrdreg s16  }
0xb6: {  	[dreg:$0x4] =	wrdreg s17  }
0xb7: {  	[dreg:$0x5] =	wrdreg $0x9  }
0xb8: {  	_ =	task.clear_ibuf [dreg:s9], $0x6FFFF;
	_ =	strace $0x90000049  }
0xb9: {  	s29 =	simm.s32 $0x9;
	_ =	strace $0x8000004B  }
0xba: {  	_ =	swait.ge [sflag:s29], $0x1  }
0xbb: {  	[sflag:s29] =	ssyncadd.s32 $0xFFFFFFFF  }
0xbc: {  	_ =	strace $0x9000004B  }
0xbd: {  	_ =	sfence  }
0xbe: {  	s30 =	sld [smem:$0x0];
	_ =	sdelay $0x2  }
0xbf: {  	s31 =	sshll.u32 s1, $0xD;
	s1 =	sshrl.u32 s1, $0x2  }
0xc0: {  	s3 =	sand.u32 $0x4000, s31;
	s1 =	sadd.s32 s1, s30  }
0xc1: {  	s0 =	sor.u32 s3, s0;
	s1 =	sshll.u32 s1, $0x11  }
0xc2: {  	s0 =	sor.u32 s1, s0  }
0xc3: {  	s0 =	sadd.s32 $0x8F2B, s0  }
0xc4: {  	[sflag:s0] =	ssyncadd.remote.s32 $0x1  }
0xc5: {  	_ =	sfence.sel $0xFFFF  }
0xc6: {  	[dreg:$0x0] =	wrdreg $0xFFFFFFFF;
	(pc) =	sbr.abs _section_cstart, $3  }
0xc7: {  	[dreg:$0x1] =	wrdreg $0xFFFFFFFF  }
0xc8: {  	_ =	task.clear_ibuf [dreg:s9], $0x2FFFF;
	_ =	strace $0x9FFFFFFF  }
0xc9: {  	(tm) =	ssettm $0x7FFFFFFF  }
tec
execute0_lowered:
.L_overlay_start_1:
0x0: {  	(tag) =	ssettag $0x1  }
0x1: {  	s1 =	rddreg [dreg:$0x0]  }
0x2: {  	s4 =	rddreg [dreg:$0x1]  }
0x3: {  	s5 =	rddreg [dreg:$0x2];
	s3 =	simm.s32 $0x0  }
0x4: {  	s10 =	simm.s32 $0x880;
	[smem:$0x7FF] =	sst s3  }
0x5: {  	s11 =	simm.s32 $0x1080;
	_ =	strace $0x8000004A;
	[dreg:$0x8] =	wrdreg s10  }
0x6: {  	s12 =	simm.s32 $0x1880;
	[dreg:$0x9] =	wrdreg s11  }
0x7: {  	s13 =	simm.s32 $0x2080;
	[dreg:$0xa] =	wrdreg s12  }
0x8: {  	s14 =	simm.s32 $0x2880;
	[dreg:$0xb] =	wrdreg s13  }
0x9: {  	s2 =	srdreg.scid;
	s15 =	simm.s32 $0x3080;
	[dreg:$0xc] =	wrdreg s14  }
0xa: {  	s0 =	stileid.u32;
	s16 =	simm.s32 $0x3880;
	[dreg:$0xd] =	wrdreg s15  }
0xb: {  	s17 =	simm.s32 $0x4880;
	s18 =	simm.s32 $0x5080;
	[dreg:$0xe] =	wrdreg s16  }
0xc: {  	s19 =	simm.s32 $0x5880;
	s21 =	simm.s32 $0x6080;
	[dreg:$0xf] =	wrdreg s17  }
0xd: {  	s22 =	simm.s32 $0x6880;
	s23 =	simm.s32 $0x7080;
	[dreg:$0x10] =	wrdreg s18  }
0xe: {  	s24 =	simm.s32 $0x7880;
	s25 =	simm.s32 $0x8880;
	[dreg:$0x11] =	wrdreg s19  }
0xf: {  	s26 =	simm.s32 $0x9080;
	s28 =	simm.s32 $0x4;
	[dreg:$0x12] =	wrdreg s21  }
0x10: {  	s29 =	simm.s32 $0x5;
	s30 =	simm.s32 $0x6;
	[dreg:$0x13] =	wrdreg s22  }
0x11: {  	s31 =	simm.s32 $0x7;
	s2 =	sand.u32 $0x1, s2;
	[dreg:$0x14] =	wrdreg s23  }
0x12: {  	s6 =	sshll.u32 s0, $0x8;
	s7 =	sshll.u32 s2, $0x7;
	[dreg:$0x15] =	wrdreg s24  }
0x13: {  	s2 =	ssub.s32 $0x2, s2;
	[dreg:$0x16] =	wrdreg s25;
	s10 =	simm.s32 $0x8080  }
0x14: {  	[dreg:$0x17] =	wrdreg s26;
	s12 =	simm.s32 $0xA080;
	s13 =	simm.s32 $0xA880  }
0x15: {  	s14 =	simm.s32 $0xB080;
	s15 =	simm.s32 $0xB880;
	s16 =	simm.s32 $0xC080  }
0x16: {  	s17 =	simm.s32 $0xC880;
	s18 =	simm.s32 $0xD080;
	s19 =	simm.s32 $0xD880  }
0x17: {  	s21 =	simm.s32 $0xE880;
	s22 =	simm.s32 $0xF080;
	s23 =	simm.s32 $0xF880  }
0x18: {  	s24 =	simm.s32 $0x1;
	s25 =	simm.s32 $0x2;
	s6 =	sor.u32 s7, s6  }
0x19: {  	s26 =	simm.s32 $0x3;
	s7 =	sshrl.u32 s6, $0x3;
	s6 =	sshll.u32 s6, $0x6  }
0x1a: {  	s20 =	sshrl.u32 s2, $0x1;
	s7 =	sadd.s32 s4, s7;
	s4 =	sadd.s32 s5, s6  }
0x1b: {  	s2 =	ssub.s32 s2, s20;
	[dreg:$0x4] =	wrdreg s7;
	s5 =	sadd.s32 $0x800, s4  }
0x1c: {  	s20 =	simm.s32 $0xE080;
	s8 =	sadd.s32 $0x1000, s4;
	[dreg:$0x5] =	wrdreg s5  }
0x1d: {  	v2 =	vlaneseq.u32;
	s6 =	smax.u32 s2, $0x1;
	s9 =	sadd.s32 $0x1800, s4;
	[dreg:$0x6] =	wrdreg s8  }
0x1e: {  	vm0 =	vmmov $0xffff;
	v1 =	vshrl.u32 v2, $0x3;
	s2 =	simm.s32 $0x8;
	s7 =	simm.s32 $0x9;
	[dreg:$0x7] =	wrdreg s9  }
0x1f: {  	v0 =	vand.u32 $0x7, v2;
	v2 =	vor.u32 $0x8, v2;
	v1 =	vmul.u32 $0x8, v1;
	s5 =	sadd.s32 $0x100, s1;
	s8 =	simm.s32 $0x80;
	s9 =	simm.s32 $0x4080  }
.LBB2_1:
0x20: {  	s0 =	rddreg [dreg:$0x4]  }
0x21: {  	[tilespmem:s3], [sflag:$0x9] =	stream.linear.gather [hbm4b:s0+s3], $0x80, $0x38;
	[tilespmem:$0x10080] =	vst v63  }
0x22: {  	_ =	swait.ge [sflag:s7], $0x80  }
0x23: {  	[sflag:s7] =	ssyncset.done $0x0  }
0x24: {  	[sflag:s7] =	ssyncadd.s32 $0xFFFFFF80  }
0x25: {  	v3 =	vld [tilespmem:$0x0];
	_ =	sdelay $0x4  }
0x26: {  	v4 =	vshll.u32 v3, $0x2  }
0x27: {  	v3 =	vand.u32 $0x7, v3;
	v4 =	vand.u32 $0xFFFFFFE0, v4  }
0x28: {  	v3 =	vor.u32 v3, v4  }
0x29: {  	v4 =	vperm.xlane v3, v0;
	_ =	sdelay $0x1  }
0x2a: {  	v4 =	vadd.s32 v1, v4;
	_ =	sdelay $0x1  }
0x2b: {  	v3 =	vperm.xlane v3, v2;
	_ =	sdelay $0x1  }
0x2c: {  	v3 =	vadd.s32 v1, v3  }
0x2d: {  	[tilespmem:s8], [sflag:$0x1] =	stream.indirect_vreg.gather [hbm4b:s1+s3], $0x80, v4, vm0, $0xb8;
	[tilespmem:$0x10080] =	vst v63  }
0x2e: {  	s0 =	rddreg [dreg:$0x8]  }
0x2f: {  	[tilespmem:s0], [sflag:$0x1] =	stream.indirect_vreg.gather [hbm4b:s5+s3], $0x80, v4, vm0, $0xb8;
	[tilespmem:$0x10080] =	vst v63  }
0x30: {  	s11 =	rddreg [dreg:$0x9]  }
0x31: {  	[tilespmem:s11], [sflag:$0x1] =	stream.indirect_vreg.gather [hbm4b:s1+s3], $0x80, v3, vm0, $0xb8;
	[tilespmem:$0x10080] =	vst v63  }
0x32: {  	s0 =	rddreg [dreg:$0xa]  }
0x33: {  	[tilespmem:s0], [sflag:$0x1] =	stream.indirect_vreg.gather [hbm4b:s5+s3], $0x80, v3, vm0, $0xb8;
	[tilespmem:$0x10080] =	vst v63  }
0x34: {  	v3 =	vld [tilespmem:$0x10];
	_ =	sdelay $0x4  }
0x35: {  	v57 =	vshll.u32 v3, $0x2  }
0x36: {  	v3 =	vand.u32 $0x7, v3;
	v4 =	vand.u32 $0xFFFFFFE0, v57  }
0x37: {  	v3 =	vor.u32 v3, v4  }
0x38: {  	v4 =	vperm.xlane v3, v0;
	_ =	sdelay $0x1  }
0x39: {  	v4 =	vadd.s32 v1, v4;
	_ =	sdelay $0x1  }
0x3a: {  	v3 =	vperm.xlane v3, v2;
	_ =	sdelay $0x1  }
0x3b: {  	s0 =	rddreg [dreg:$0xb];
	v3 =	vadd.s32 v1, v3  }
0x3c: {  	[tilespmem:s0], [sflag:$0x1] =	stream.indirect_vreg.gather [hbm4b:s1+s3], $0x80, v4, vm0, $0xb8;
	[tilespmem:$0x10080] =	vst v63  }
0x3d: {  	s11 =	rddreg [dreg:$0xc]  }
0x3e: {  	[tilespmem:s11], [sflag:$0x1] =	stream.indirect_vreg.gather [hbm4b:s5+s3], $0x80, v4, vm0, $0xb8;
	[tilespmem:$0x10080] =	vst v63  }
0x3f: {  	s0 =	rddreg [dreg:$0xd]  }
0x40: {  	[tilespmem:s0], [sflag:$0x1] =	stream.indirect_vreg.gather [hbm4b:s1+s3], $0x80, v3, vm0, $0xb8;
	[tilespmem:$0x10080] =	vst v63  }
0x41: {  	s11 =	rddreg [dreg:$0xe]  }
0x42: {  	[tilespmem:s11], [sflag:$0x1] =	stream.indirect_vreg.gather [hbm4b:s5+s3], $0x80, v3, vm0, $0xb8;
	[tilespmem:$0x10080] =	vst v63  }
0x43: {  	v3 =	vld [tilespmem:$0x20];
	_ =	sdelay $0x4  }
0x44: {  	v58 =	vshll.u32 v3, $0x2  }
0x45: {  	v3 =	vand.u32 $0x7, v3;
	v4 =	vand.u32 $0xFFFFFFE0, v58  }
0x46: {  	v3 =	vor.u32 v3, v4  }
0x47: {  	v4 =	vperm.xlane v3, v0;
	_ =	sdelay $0x1  }
0x48: {  	v4 =	vadd.s32 v1, v4;
	_ =	sdelay $0x1  }
0x49: {  	v3 =	vperm.xlane v3, v2;
	_ =	sdelay $0x1  }
0x4a: {  	v3 =	vadd.s32 v1, v3  }
0x4b: {  	[tilespmem:s9], [sflag:$0x2] =	stream.indirect_vreg.gather [hbm4b:s1+s3], $0x80, v4, vm0, $0xb8;
	[tilespmem:$0x10080] =	vst v63  }
0x4c: {  	s0 =	rddreg [dreg:$0xf]  }
0x4d: {  	[tilespmem:s0], [sflag:$0x2] =	stream.indirect_vreg.gather [hbm4b:s5+s3], $0x80, v4, vm0, $0xb8;
	[tilespmem:$0x10080] =	vst v63  }
0x4e: {  	s11 =	rddreg [dreg:$0x10]  }
0x4f: {  	[tilespmem:s11], [sflag:$0x2] =	stream.indirect_vreg.gather [hbm4b:s1+s3], $0x80, v3, vm0, $0xb8;
	[tilespmem:$0x10080] =	vst v63  }
0x50: {  	s0 =	rddreg [dreg:$0x11]  }
0x51: {  	[tilespmem:s0], [sflag:$0x2] =	stream.indirect_vreg.gather [hbm4b:s5+s3], $0x80, v3, vm0, $0xb8;
	[tilespmem:$0x10080] =	vst v63  }
0x52: {  	v3 =	vld [tilespmem:$0x30];
	_ =	sdelay $0x4  }
0x53: {  	v59 =	vshll.u32 v3, $0x2  }
0x54: {  	v3 =	vand.u32 $0x7, v3;
	v4 =	vand.u32 $0xFFFFFFE0, v59  }
0x55: {  	v3 =	vor.u32 v3, v4  }
0x56: {  	v4 =	vperm.xlane v3, v0;
	_ =	sdelay $0x1  }
0x57: {  	v4 =	vadd.s32 v1, v4;
	_ =	sdelay $0x1  }
0x58: {  	v3 =	vperm.xlane v3, v2;
	_ =	sdelay $0x1  }
0x59: {  	s0 =	rddreg [dreg:$0x12];
	v3 =	vadd.s32 v1, v3  }
0x5a: {  	[tilespmem:s0], [sflag:$0x2] =	stream.indirect_vreg.gather [hbm4b:s1+s3], $0x80, v4, vm0, $0xb8;
	[tilespmem:$0x10080] =	vst v63  }
0x5b: {  	s11 =	rddreg [dreg:$0x13]  }
0x5c: {  	[tilespmem:s11], [sflag:$0x2] =	stream.indirect_vreg.gather [hbm4b:s5+s3], $0x80, v4, vm0, $0xb8;
	[tilespmem:$0x10080] =	vst v63  }
0x5d: {  	s0 =	rddreg [dreg:$0x14]  }
0x5e: {  	[tilespmem:s0], [sflag:$0x2] =	stream.indirect_vreg.gather [hbm4b:s1+s3], $0x80, v3, vm0, $0xb8;
	[tilespmem:$0x10080] =	vst v63  }
0x5f: {  	s11 =	rddreg [dreg:$0x15]  }
0x60: {  	[tilespmem:s11], [sflag:$0x2] =	stream.indirect_vreg.gather [hbm4b:s5+s3], $0x80, v3, vm0, $0xb8;
	[tilespmem:$0x10080] =	vst v63  }
0x61: {  	v3 =	vld [tilespmem:$0x40];
	_ =	sdelay $0x4  }
0x62: {  	v60 =	vshll.u32 v3, $0x2  }
0x63: {  	v3 =	vand.u32 $0x7, v3;
	v4 =	vand.u32 $0xFFFFFFE0, v60  }
0x64: {  	v3 =	vor.u32 v3, v4  }
0x65: {  	v4 =	vperm.xlane v3, v0;
	_ =	sdelay $0x1  }
0x66: {  	v4 =	vadd.s32 v1, v4;
	_ =	sdelay $0x1  }
0x67: {  	v3 =	vperm.xlane v3, v2;
	_ =	sdelay $0x1  }
0x68: {  	v3 =	vadd.s32 v1, v3  }
0x69: {  	[tilespmem:s10], [sflag:$0x3] =	stream.indirect_vreg.gather [hbm4b:s1+s3], $0x80, v4, vm0, $0xb8;
	[tilespmem:$0x10080] =	vst v63  }
0x6a: {  	s0 =	rddreg [dreg:$0x16]  }
0x6b: {  	[tilespmem:s0], [sflag:$0x3] =	stream.indirect_vreg.gather [hbm4b:s5+s3], $0x80, v4, vm0, $0xb8;
	[tilespmem:$0x10080] =	vst v63  }
0x6c: {  	s11 =	rddreg [dreg:$0x17]  }
0x6d: {  	[tilespmem:s11], [sflag:$0x3] =	stream.indirect_vreg.gather [hbm4b:s1+s3], $0x80, v3, vm0, $0xb8;
	[tilespmem:$0x10080] =	vst v63  }
0x6e: {  	s11 =	simm.s32 $0x9880  }
0x6f: {  	[tilespmem:s11], [sflag:$0x3] =	stream.indirect_vreg.gather [hbm4b:s5+s3], $0x80, v3, vm0, $0xb8;
	[tilespmem:$0x10080] =	vst v63  }
0x70: {  	v3 =	vld [tilespmem:$0x50];
	_ =	sdelay $0x4  }
0x71: {  	v61 =	vshll.u32 v3, $0x2  }
0x72: {  	v3 =	vand.u32 $0x7, v3;
	v4 =	vand.u32 $0xFFFFFFE0, v61  }
0x73: {  	v3 =	vor.u32 v3, v4  }
0x74: {  	v4 =	vperm.xlane v3, v0;
	_ =	sdelay $0x1  }
0x75: {  	v4 =	vadd.s32 v1, v4;
	_ =	sdelay $0x1  }
0x76: {  	v3 =	vperm.xlane v3, v2;
	_ =	sdelay $0x1  }
0x77: {  	v3 =	vadd.s32 v1, v3  }
0x78: {  	[tilespmem:s12], [sflag:$0x3] =	stream.indirect_vreg.gather [hbm4b:s1+s3], $0x80, v4, vm0, $0xb8;
	[tilespmem:$0x10080] =	vst v63  }
0x79: {  	_ = 	snop  }
0x7a: {  	[tilespmem:s13], [sflag:$0x3] =	stream.indirect_vreg.gather [hbm4b:s5+s3], $0x80, v4, vm0, $0xb8;
	[tilespmem:$0x10080] =	vst v63  }
0x7b: {  	_ = 	snop  }
0x7c: {  	[tilespmem:s14], [sflag:$0x3] =	stream.indirect_vreg.gather [hbm4b:s1+s3], $0x80, v3, vm0, $0xb8;
	[tilespmem:$0x10080] =	vst v63  }
0x7d: {  	_ = 	snop  }
0x7e: {  	[tilespmem:s15], [sflag:$0x3] =	stream.indirect_vreg.gather [hbm4b:s5+s3], $0x80, v3, vm0, $0xb8;
	[tilespmem:$0x10080] =	vst v63  }
0x7f: {  	v3 =	vld [tilespmem:$0x60];
	_ =	sdelay $0x4  }
0x80: {  	v62 =	vshll.u32 v3, $0x2  }
0x81: {  	v3 =	vand.u32 $0x7, v3;
	v4 =	vand.u32 $0xFFFFFFE0, v62  }
0x82: {  	v3 =	vor.u32 v3, v4  }
0x83: {  	v4 =	vperm.xlane v3, v0;
	_ =	sdelay $0x1  }
0x84: {  	v4 =	vadd.s32 v1, v4;
	_ =	sdelay $0x1  }
0x85: {  	v3 =	vperm.xlane v3, v2;
	_ =	sdelay $0x1  }
0x86: {  	v3 =	vadd.s32 v1, v3  }
0x87: {  	[tilespmem:s16], [sflag:$0x4] =	stream.indirect_vreg.gather [hbm4b:s1+s3], $0x80, v4, vm0, $0xb8;
	[tilespmem:$0x10080] =	vst v63  }
0x88: {  	_ = 	snop  }
0x89: {  	[tilespmem:s17], [sflag:$0x4] =	stream.indirect_vreg.gather [hbm4b:s5+s3], $0x80, v4, vm0, $0xb8;
	[tilespmem:$0x10080] =	vst v63  }
0x8a: {  	_ = 	snop  }
0x8b: {  	[tilespmem:s18], [sflag:$0x4] =	stream.indirect_vreg.gather [hbm4b:s1+s3], $0x80, v3, vm0, $0xb8;
	[tilespmem:$0x10080] =	vst v63  }
0x8c: {  	_ = 	snop  }
0x8d: {  	[tilespmem:s19], [sflag:$0x4] =	stream.indirect_vreg.gather [hbm4b:s5+s3], $0x80, v3, vm0, $0xb8;
	[tilespmem:$0x10080] =	vst v63  }
0x8e: {  	v3 =	vld [tilespmem:$0x70];
	_ =	sdelay $0x4  }
0x8f: {  	v63 =	vshll.u32 v3, $0x2  }
0x90: {  	v3 =	vand.u32 $0x7, v3;
	v4 =	vand.u32 $0xFFFFFFE0, v63  }
0x91: {  	v3 =	vor.u32 v3, v4  }
0x92: {  	v4 =	vperm.xlane v3, v0;
	_ =	sdelay $0x1  }
0x93: {  	v4 =	vadd.s32 v1, v4;
	_ =	sdelay $0x1  }
0x94: {  	v3 =	vperm.xlane v3, v2;
	_ =	sdelay $0x1  }
0x95: {  	v3 =	vadd.s32 v1, v3  }
0x96: {  	[tilespmem:s20], [sflag:$0x4] =	stream.indirect_vreg.gather [hbm4b:s1+s3], $0x80, v4, vm0, $0xb8;
	[tilespmem:$0x10080] =	vst v63  }
0x97: {  	_ = 	snop  }
0x98: {  	[tilespmem:s21], [sflag:$0x4] =	stream.indirect_vreg.gather [hbm4b:s5+s3], $0x80, v4, vm0, $0xb8;
	[tilespmem:$0x10080] =	vst v63  }
0x99: {  	_ = 	snop  }
0x9a: {  	[tilespmem:s22], [sflag:$0x4] =	stream.indirect_vreg.gather [hbm4b:s1+s3], $0x80, v3, vm0, $0xb8;
	[tilespmem:$0x10080] =	vst v63  }
0x9b: {  	_ = 	snop  }
0x9c: {  	[tilespmem:s23], [sflag:$0x4] =	stream.indirect_vreg.gather [hbm4b:s5+s3], $0x80, v3, vm0, $0xb8;
	[tilespmem:$0x10080] =	vst v63  }
0x9d: {  	_ =	swait.ge [sflag:s24], $0x4000  }
0x9e: {  	[sflag:s24] =	ssyncset.done $0x0  }
0x9f: {  	[sflag:s24] =	ssyncadd.s32 $0xFFFFC000  }
0xa0: {  	[hbm4b:s4+s3] =	stream.linear.scatter [tilespmem:s8], [sflag:$0x5], $0x4000, $0x38;
	[tilespmem:$0x10080] =	vst v63  }
0xa1: {  	_ =	swait.ge [sflag:s25], $0x4000  }
0xa2: {  	[sflag:s25] =	ssyncset.done $0x0  }
0xa3: {  	s11 =	rddreg [dreg:$0x5];
	[sflag:s25] =	ssyncadd.s32 $0xFFFFC000  }
0xa4: {  	[hbm4b:s11+s3] =	stream.linear.scatter [tilespmem:s9], [sflag:$0x6], $0x4000, $0x38;
	[tilespmem:$0x10080] =	vst v63  }
0xa5: {  	_ =	swait.ge [sflag:s26], $0x4000  }
0xa6: {  	[sflag:s26] =	ssyncset.done $0x0  }
0xa7: {  	s11 =	rddreg [dreg:$0x6];
	[sflag:s26] =	ssyncadd.s32 $0xFFFFC000  }
0xa8: {  	[hbm4b:s11+s3] =	stream.linear.scatter [tilespmem:s10], [sflag:$0x7], $0x4000, $0x38;
	[tilespmem:$0x10080] =	vst v63  }
0xa9: {  	_ =	swait.ge [sflag:s28], $0x4000  }
0xaa: {  	[sflag:s28] =	ssyncset.done $0x0  }
0xab: {  	s11 =	rddreg [dreg:$0x7];
	[sflag:s28] =	ssyncadd.s32 $0xFFFFC000  }
0xac: {  	[hbm4b:s11+s3] =	stream.linear.scatter [tilespmem:s16], [sflag:$0x8], $0x4000, $0x38;
	[tilespmem:$0x10080] =	vst v63  }
0xad: {  	_ =	swait.ge [sflag:s29], $0x4000  }
0xae: {  	[sflag:s29] =	ssyncset.done $0x0  }
0xaf: {  	[sflag:s29] =	ssyncadd.s32 $0xFFFFC000  }
0xb0: {  	_ =	swait.ge [sflag:s30], $0x4000  }
0xb1: {  	[sflag:s30] =	ssyncset.done $0x0  }
0xb2: {  	[sflag:s30] =	ssyncadd.s32 $0xFFFFC000  }
0xb3: {  	p0 =	sne.s32 s6, $0x1;
	_ =	swait.ge [sflag:s31], $0x4000  }
.Ltmp0:
0xb4: {  	[sflag:s31] =	ssyncset.done $0x0;
	(pc) =	sbr.rel @p0 .LBB2_1-.Ltmp0, $4  }
0xb5: {  	[sflag:s31] =	ssyncadd.s32 $0xFFFFC000  }
0xb6: {  	_ =	swait.ge [sflag:s2], $0x4000  }
0xb7: {  	[sflag:s2] =	ssyncset.done $0x0  }
0xb8: {  	s6 =	sadd.s32 $0xFFFFFFFF, s6;
	[sflag:s2] =	ssyncadd.s32 $0xFFFFC000  }
0xb9: {  	_ =	sfence.sel $0x180000  }
0xba: {  	[bflag:$0x0] =	sbarrier.arrive $0xFFFF  }
0xbb: {  	_ =	strace $0x9000004A  }
0xbc: {  	s0 =	stileid.u32;
	[bflag:$0x2] =	sbarrier.arrive $0xFFFF  }
0xbd: {  	p0 =	sne.s32 s0, $0x0;
	s0 =	rddreg [dreg:$0x3]  }
0xbe: {  	s0 =	sadd.s32 @!p0 $0x100000, s0  }
0xbf: {  	[sflag:s0] =	ssyncadd.tile.s32 @!p0 $0x1;
	_ =	shalt  }
.Lfunc_end2:
_tile_overlayer_lowered:
.L_overlay_start_2:
0xc0: {  	(tag) =	ssettag $0x2  }
0xc1: {  	s0 =	rddreg [dreg:$0x0];
	s2 =	stileid.u32  }
0xc2: {  	s1 =	rddreg [dreg:$0x1];
	p0 =	sne.s32 s2, $0x0  }
0xc3: {  	s3 =	rddreg [dreg:$0x2];
	[bflag:$0x3] =	sbarrier.arrive $0xFFFF;
	s2 =	simm.s32 @!p0 $0x1C09  }
0xc4: {  	[timem:s3], [sflag:s2] =	dma.local @!p0 [hbm:s0], s1  }
0xc5: {  	s0 =	simm.s32 @!p0 $0x9  }
0xc6: {  	_ =	swait.ge @!p0 [sflag:s0], s1  }
0xc7: {  	s1 =	ssub.s32 @!p0 $0x0, s1;
	[sflag:s0] =	ssyncset.done @!p0 $0x0  }
0xc8: {  	[sflag:s0] =	ssyncadd.s32 @!p0 s1  }
0xc9: {  	[bflag:$0x3] =	sbarrier.arrive $0xFFFF  }
0xca: {  	_ =	shalt  }

</sc_bundles>
